<compile_context>
chip_gen: v7x
topology: tpu7x:2x2x1
jax: 0.10.2.dev20260603
libtpu: 0.0.44.dev20260713+nightly
codegen_flags: <defaults>
</compile_context>

<pallas_src>
import functools

import jax
import jax.numpy as jnp
from jax import lax
from jax.experimental import pallas as pl
from jax.experimental.pallas import tpu as pltpu
from jax.experimental.pallas import tpu_sc as plsc

VOCAB_SIZE = 1000
N_TOK = 1024 * 200

NUM_CORES = 2
NUM_SUBCORES = 16
LANES = 16
NW = NUM_CORES * NUM_SUBCORES
TOK_PER_W = N_TOK // NW
CHUNK = 32
NCHUNK = TOK_PER_W // CHUNK
NBUF = 3
VPAD = 1024


def _logz_body(tab_ref, out_ref):
    x = tab_ref[...]
    m = jnp.max(x, axis=1)
    s = jnp.sum(jnp.exp(x - m[:, None]), axis=1)
    out_ref[...] = m + jnp.log(s)


def _compute_logz(table):
    return pl.pallas_call(
        _logz_body,
        out_shape=jax.ShapeDtypeStruct((VOCAB_SIZE,), jnp.float32),
    )(table)


def _sc_body(table_hbm, idx_hbm, tgt_hbm, logz_hbm, flat_hbm,
             out_hbm, part_hbm,
             idx_v, tgt_v, lz_v, tl_v, acc_v, r0, r1, r2,
             sem_z, sem_t, sg0, sg1, sg2,
             ss0, ss1, ss2):
    rows = (r0, r1, r2)
    sem_g = (sg0, sg1, sg2)
    sem_s = (ss0, ss1, ss2)
    wid = lax.axis_index("s") * NUM_CORES + lax.axis_index("c")
    base = wid * TOK_PER_W
    pltpu.sync_copy(idx_hbm.at[pl.ds(base, TOK_PER_W)], idx_v)
    pltpu.sync_copy(tgt_hbm.at[pl.ds(base, TOK_PER_W)], tgt_v)

    def flat_body(i, carry):
        off = pl.multiple_of(i * LANES, 8)
        tgt_v[pl.ds(off, LANES)] = (idx_v[pl.ds(off, LANES)] * VOCAB_SIZE
                                    + tgt_v[pl.ds(off, LANES)])
        return carry
    lax.fori_loop(0, TOK_PER_W // LANES, flat_body, 0)

    pltpu.async_copy(logz_hbm.at[idx_v], lz_v, sem_z)
    pltpu.async_copy(flat_hbm.at[tgt_v], tl_v, sem_t)

    def start_gather(k, j):
        off = pl.multiple_of(k * CHUNK, 8)
        pltpu.async_copy(table_hbm.at[idx_v.at[pl.ds(off, CHUNK)]],
                         rows[j], sem_g[j])

    def wait_gather(j):
        pltpu.make_async_copy(table_hbm.at[idx_v.at[pl.ds(0, CHUNK)]],
                              rows[j], sem_g[j]).wait()

    def start_scatter(k, j):
        off = pl.multiple_of(k * CHUNK, 8)
        pltpu.async_copy(rows[j], out_hbm.at[pl.ds(base + off, CHUNK)],
                         sem_s[j])

    def wait_scatter(j):
        pltpu.make_async_copy(rows[j], out_hbm.at[pl.ds(base, CHUNK)],
                              sem_s[j]).wait()

    for j in range(NBUF - 1):
        start_gather(j, j)

    def group(g, carry):
        for j in range(NBUF):
            k = g * NBUF + j
            jj = (j + NBUF - 1) % NBUF

            wait_gather(j)
            start_scatter(k, j)

            @pl.when(jnp.logical_and(k >= 1, k + NBUF - 1 < NCHUNK))
            def _():
                wait_scatter(jj)
                start_gather(k + NBUF - 1, jj)

            @pl.when(k == 0)
            def _():
                start_gather(NBUF - 1, NBUF - 1)
        return carry

    lax.fori_loop(0, NCHUNK // NBUF, group, 0)
    for k in range((NCHUNK // NBUF) * NBUF, NCHUNK):
        j = k % NBUF
        wait_gather(j)
        start_scatter(k, j)
    for j in range(NBUF):
        wait_scatter(j)

    pltpu.make_async_copy(logz_hbm.at[idx_v], lz_v, sem_z).wait()
    pltpu.make_async_copy(flat_hbm.at[tgt_v], tl_v, sem_t).wait()

    def acc_body(i, acc):
        off = pl.multiple_of(i * LANES, 8)
        return acc + (lz_v[pl.ds(off, LANES)] - tl_v[pl.ds(off, LANES)])
    acc = lax.fori_loop(0, TOK_PER_W // LANES, acc_body,
                        jnp.zeros((LANES,), jnp.float32))
    acc_v[...] = acc
    pltpu.sync_copy(acc_v, part_hbm.at[pl.ds(wid * LANES, LANES)])


def _sc_gather(table, idx_f, tgt_f, logz, flat):
    mesh = plsc.VectorSubcoreMesh(core_axis_name="c", subcore_axis_name="s")
    fn = functools.partial(
        pl.kernel,
        mesh=mesh,
        out_type=[
            jax.ShapeDtypeStruct((N_TOK, VPAD), jnp.float32),
            jax.ShapeDtypeStruct((NW * LANES,), jnp.float32),
        ],
        scratch_types=[
            pltpu.VMEM((TOK_PER_W,), jnp.int32),
            pltpu.VMEM((TOK_PER_W,), jnp.int32),
            pltpu.VMEM((TOK_PER_W,), jnp.float32),
            pltpu.VMEM((TOK_PER_W,), jnp.float32),
            pltpu.VMEM((LANES,), jnp.float32),
        ] + [pltpu.VMEM((CHUNK, VPAD), jnp.float32)] * NBUF
          + [pltpu.SemaphoreType.DMA] * (2 + 2 * NBUF),
        compiler_params=pltpu.CompilerParams(
            needs_layout_passes=False,
            use_tc_tiling_on_sc=True,
        ),
    )(_sc_body)
    return fn(table, idx_f, tgt_f, logz, flat)


def _reduce_body(p_ref, out_ref):
    out_ref[...] = jnp.sum(p_ref[...]).reshape(1, 1) * (1.0 / N_TOK)


def _reduce_loss(part):
    return pl.pallas_call(
        _reduce_body,
        out_shape=jax.ShapeDtypeStruct((1, 1), jnp.float32),
    )(part)


def kernel(idx, targets, token_embedding_table):
    idx_f = idx.reshape(-1).astype(jnp.int32)
    tgt_f = targets.reshape(-1).astype(jnp.int32)
    logz = _compute_logz(token_embedding_table)
    flat = token_embedding_table.reshape(-1)
    table_pad = jnp.pad(token_embedding_table,
                        ((0, 0), (0, VPAD - VOCAB_SIZE)))
    out_pad, part = _sc_gather(table_pad, idx_f, tgt_f, logz, flat)
    loss = _reduce_loss(part)[0, 0]
    return (out_pad[:, :VOCAB_SIZE], loss)

# --- scband reference (transcript-rebuilt; emitter-appended) ---
"""Pipeline reference for scband-bigram-language-model-1322849927947 (READ-ONLY COPY).

The authoritative reference and input builder live on the scoring server;
editing this copy changes nothing except your own understanding.
"""

import jax, jax.numpy as jnp
import numpy as np

VOCAB = 1000
B, T = 1024, 200

def setup_inputs(seed: int = 0) -> dict:
    key = jax.random.key(seed)
    k1, k2, k3 = jax.random.split(key, 3)
    idx = jax.random.randint(k1, (B, T), 0, VOCAB, dtype=jnp.int64 if jax.config.jax_enable_x64 else jnp.int32)
    targets = jax.random.randint(k2, (B, T), 0, VOCAB, dtype=jnp.int64 if jax.config.jax_enable_x64 else jnp.int32)
    # nn.Embedding default init: N(0, 1)
    token_embedding_table = jax.random.normal(k3, (VOCAB, VOCAB), dtype=jnp.float32)
    return {"idx": idx, "targets": targets, "token_embedding_table": token_embedding_table}

def _cross_entropy(logits, targets):
    # torch F.cross_entropy with mean reduction over class-index targets
    logz = jax.nn.logsumexp(logits, axis=-1)
    tgt_logit = jnp.take_along_axis(logits, targets[:, None], axis=-1)[:, 0]
    return jnp.mean(logz - tgt_logit)

def reference(idx, targets, token_embedding_table):
    # logits = self.token_embedding_table(idx)  -> gather rows
    logits = jnp.take(token_embedding_table, idx, axis=0)  # [B, T, C]
    Bb, Tt, C = logits.shape
    logits = logits.reshape(Bb * Tt, C)
    tgt = targets.reshape(Bb * Tt)
    loss = _cross_entropy(logits, tgt)
    return (logits, loss)

if __name__ == "__main__":
    import jax
    _d = setup_inputs()
    print(jax.jit(kernel)(*tuple(_d.values())))

</pallas_src>

<mosaic_0001>
#map = affine_map<(d0, d1) -> (0, 0)>
#map1 = affine_map<(d0, d1) -> (0)>
module attributes {stable_mosaic.version = 14 : i64} {
  func.func @_sc_body(%arg0: i32, %arg1: i32, %arg2: memref<1000x1024xf32, #tpu.memory_space<hbm>>, %arg3: memref<204800xi32, #tpu.memory_space<hbm>>, %arg4: memref<204800xi32, #tpu.memory_space<hbm>>, %arg5: memref<1000xf32, #tpu.memory_space<hbm>>, %arg6: memref<1000000xf32, #tpu.memory_space<hbm>>, %arg7: memref<204800x1024xf32, #tpu.memory_space<hbm>>, %arg8: memref<512xf32, #tpu.memory_space<hbm>>, %arg9: memref<6400xi32, #tpu.memory_space<vmem>>, %arg10: memref<6400xi32, #tpu.memory_space<vmem>>, %arg11: memref<6400xf32, #tpu.memory_space<vmem>>, %arg12: memref<6400xf32, #tpu.memory_space<vmem>>, %arg13: memref<16xf32, #tpu.memory_space<vmem>>, %arg14: memref<32x1024xf32, #tpu.memory_space<vmem>>, %arg15: memref<32x1024xf32, #tpu.memory_space<vmem>>, %arg16: memref<32x1024xf32, #tpu.memory_space<vmem>>, %arg17: memref<!tpu.dma_semaphore, #tpu.memory_space<semaphore_mem>>, %arg18: memref<!tpu.dma_semaphore, #tpu.memory_space<semaphore_mem>>, %arg19: memref<!tpu.dma_semaphore, #tpu.memory_space<semaphore_mem>>, %arg20: memref<!tpu.dma_semaphore, #tpu.memory_space<semaphore_mem>>, %arg21: memref<!tpu.dma_semaphore, #tpu.memory_space<semaphore_mem>>, %arg22: memref<!tpu.dma_semaphore, #tpu.memory_space<semaphore_mem>>, %arg23: memref<!tpu.dma_semaphore, #tpu.memory_space<semaphore_mem>>, %arg24: memref<!tpu.dma_semaphore, #tpu.memory_space<semaphore_mem>>) attributes {dimension_semantics = [#tpu.dimension_semantics<core_parallel>, #tpu.dimension_semantics<subcore_parallel>], iteration_bounds = array<i64: 2, 16>, scalar_prefetch = 0 : i64, scratch_operands = 16 : i64, tpu.core_type = #tpu.core_type<sc_vector_subcore>, window_params = [{transform_indices = #map}, {transform_indices = #map1}, {transform_indices = #map1}, {transform_indices = #map1}, {transform_indices = #map1}, {transform_indices = #map}, {transform_indices = #map1}]} {
    %mul3A = arith.constant 2 : i32
    %mul3A_0 = arith.muli %arg1, %mul3A : i32
    %add3A = arith.addi %mul3A_0, %arg0 : i32
    %mul3A_1 = arith.constant 6400 : i32
    %mul3A_2 = arith.muli %add3A, %mul3A_1 : i32
    "tpu.region"() ({
      %run_scoped3A = tpu.sem_alloc : memref<!tpu.dma_semaphore, #tpu.memory_space<semaphore_mem>>
      %dma_start3A_77 = tpu.memref_slice %arg3[%mul3A_2] : memref<204800xi32, #tpu.memory_space<hbm>> -> memref<6400xi32, #tpu.memory_space<hbm>>
      %dma_start3A_78 = tpu.memref_slice %arg3[%mul3A_2] : memref<204800xi32, #tpu.memory_space<hbm>> -> memref<6400xi32, #tpu.memory_space<hbm>>
      tpu.enqueue_dma source(%dma_start3A_78 : memref<6400xi32, #tpu.memory_space<hbm>>) target(%arg9 : memref<6400xi32, #tpu.memory_space<vmem>>) target_semaphore(%run_scoped3A : memref<!tpu.dma_semaphore, #tpu.memory_space<semaphore_mem>>)
      %dma_wait3A_79 = tpu.memref_slice %arg3[%mul3A_2] : memref<204800xi32, #tpu.memory_space<hbm>> -> memref<6400xi32, #tpu.memory_space<hbm>>
      %dma_wait3A_80 = tpu.memref_slice %arg3[%mul3A_2] : memref<204800xi32, #tpu.memory_space<hbm>> -> memref<6400xi32, #tpu.memory_space<hbm>>
      tpu.wait_dma2 semaphore(%run_scoped3A : memref<!tpu.dma_semaphore, #tpu.memory_space<semaphore_mem>>) src(%dma_wait3A_80 : memref<6400xi32, #tpu.memory_space<hbm>>) dst(%arg9 : memref<6400xi32, #tpu.memory_space<vmem>>)
      tpu.yield
    }) : () -> ()
    "tpu.region"() ({
      %run_scoped3A = tpu.sem_alloc : memref<!tpu.dma_semaphore, #tpu.memory_space<semaphore_mem>>
      %dma_start3A_77 = tpu.memref_slice %arg4[%mul3A_2] : memref<204800xi32, #tpu.memory_space<hbm>> -> memref<6400xi32, #tpu.memory_space<hbm>>
      %dma_start3A_78 = tpu.memref_slice %arg4[%mul3A_2] : memref<204800xi32, #tpu.memory_space<hbm>> -> memref<6400xi32, #tpu.memory_space<hbm>>
      tpu.enqueue_dma source(%dma_start3A_78 : memref<6400xi32, #tpu.memory_space<hbm>>) target(%arg10 : memref<6400xi32, #tpu.memory_space<vmem>>) target_semaphore(%run_scoped3A : memref<!tpu.dma_semaphore, #tpu.memory_space<semaphore_mem>>)
      %dma_wait3A_79 = tpu.memref_slice %arg4[%mul3A_2] : memref<204800xi32, #tpu.memory_space<hbm>> -> memref<6400xi32, #tpu.memory_space<hbm>>
      %dma_wait3A_80 = tpu.memref_slice %arg4[%mul3A_2] : memref<204800xi32, #tpu.memory_space<hbm>> -> memref<6400xi32, #tpu.memory_space<hbm>>
      tpu.wait_dma2 semaphore(%run_scoped3A : memref<!tpu.dma_semaphore, #tpu.memory_space<semaphore_mem>>) src(%dma_wait3A_80 : memref<6400xi32, #tpu.memory_space<hbm>>) dst(%arg10 : memref<6400xi32, #tpu.memory_space<vmem>>)
      tpu.yield
    }) : () -> ()
    %scan3A = arith.constant 0 : i32
    %scan3A_3 = arith.constant 0 : i32
    %scan3A_4 = arith.constant 400 : i32
    %scan3A_5 = arith.addi %scan3A_3, %scan3A_4 : i32
    %scan3A_6 = arith.constant 1 : i32
    scf.for %scan3A_77 = %scan3A_3 to %scan3A_5 step %scan3A_6  : i32 {
      %mul3A_78 = arith.constant 16 : i32
      %mul3A_79 = arith.muli %scan3A_77, %mul3A_78 : i32
      %multiple_of3A_80 = tpu.assume_multiple %mul3A_79, 8 : i32
      %get3A = arith.index_cast %multiple_of3A_80 : i32 to index
      %get3A_81 = tpu.vector_load %arg9[%get3A] {strides = array<i32>} : memref<6400xi32, #tpu.memory_space<vmem>>, vector<16xi32>,
      %mul3A_82 = arith.constant 1000 : i32
      %mul3A_83 = vector.broadcast %mul3A_82 : i32 to vector<16xi32>
      %mul3A_84 = arith.muli %get3A_81, %mul3A_83 : vector<16xi32>
      %get3A_85 = arith.index_cast %multiple_of3A_80 : i32 to index
      %get3A_86 = tpu.vector_load %arg10[%get3A_85] {strides = array<i32>} : memref<6400xi32, #tpu.memory_space<vmem>>, vector<16xi32>,
      %add3A_87 = arith.addi %mul3A_84, %get3A_86 : vector<16xi32>
      %swap3A_88 = arith.index_cast %multiple_of3A_80 : i32 to index
      %swap3A_89 = tpu.vector_load %arg10[%swap3A_88] {strides = array<i32>} : memref<6400xi32, #tpu.memory_space<vmem>>, vector<16xi32>,
      tpu.vector_store %arg10[%swap3A_88], %add3A_87 {strides = array<i32>} : memref<6400xi32, #tpu.memory_space<vmem>>, vector<16xi32>,
    }
    %scan3A_7 = arith.constant 400 : i32
    %dma_start3A = arith.constant 0 : i32
    %dma_start3A_8 = tpu.memref_slice %arg5[%dma_start3A] : memref<1000xf32, #tpu.memory_space<hbm>> -> memref<1000xf32, #tpu.memory_space<hbm>>
    tpu.enqueue_indirect_dma source(%dma_start3A_8 : memref<1000xf32, #tpu.memory_space<hbm>>) target(%arg11 : memref<6400xf32, #tpu.memory_space<vmem>>) offsets(%arg9 : memref<6400xi32, #tpu.memory_space<vmem>>) semaphore(%arg17 : memref<!tpu.dma_semaphore, #tpu.memory_space<semaphore_mem>>)
    %dma_start3A_9 = arith.constant 0 : i32
    %dma_start3A_10 = tpu.memref_slice %arg6[%dma_start3A_9] : memref<1000000xf32, #tpu.memory_space<hbm>> -> memref<1000000xf32, #tpu.memory_space<hbm>>
    tpu.enqueue_indirect_dma source(%dma_start3A_10 : memref<1000000xf32, #tpu.memory_space<hbm>>) target(%arg12 : memref<6400xf32, #tpu.memory_space<vmem>>) offsets(%arg10 : memref<6400xi32, #tpu.memory_space<vmem>>) semaphore(%arg18 : memref<!tpu.dma_semaphore, #tpu.memory_space<semaphore_mem>>)
    %multiple_of3A = arith.constant 0 : i32
    %multiple_of3A_11 = tpu.assume_multiple %multiple_of3A, 8 : i32
    %dma_start3A_12 = tpu.memref_slice %arg9[%multiple_of3A_11] : memref<6400xi32, #tpu.memory_space<vmem>> -> memref<32xi32, #tpu.memory_space<vmem>>
    %dma_start3A_13 = arith.constant 0 : i32
    %dma_start3A_14 = arith.constant 0 : i32
    %dma_start3A_15 = tpu.memref_slice %arg2[%dma_start3A_13, %dma_start3A_14] : memref<1000x1024xf32, #tpu.memory_space<hbm>> -> memref<1000x1024xf32, #tpu.memory_space<hbm>>
    tpu.enqueue_indirect_dma source(%dma_start3A_15 : memref<1000x1024xf32, #tpu.memory_space<hbm>>) target(%arg14 : memref<32x1024xf32, #tpu.memory_space<vmem>>) offsets(%dma_start3A_12 : memref<32xi32, #tpu.memory_space<vmem>>) semaphore(%arg19 : memref<!tpu.dma_semaphore, #tpu.memory_space<semaphore_mem>>)
    %multiple_of3A_16 = arith.constant 32 : i32
    %multiple_of3A_17 = tpu.assume_multiple %multiple_of3A_16, 8 : i32
    %dma_start3A_18 = tpu.memref_slice %arg9[%multiple_of3A_17] : memref<6400xi32, #tpu.memory_space<vmem>> -> memref<32xi32, #tpu.memory_space<vmem>>
    %dma_start3A_19 = arith.constant 0 : i32
    %dma_start3A_20 = arith.constant 0 : i32
    %dma_start3A_21 = tpu.memref_slice %arg2[%dma_start3A_19, %dma_start3A_20] : memref<1000x1024xf32, #tpu.memory_space<hbm>> -> memref<1000x1024xf32, #tpu.memory_space<hbm>>
    tpu.enqueue_indirect_dma source(%dma_start3A_21 : memref<1000x1024xf32, #tpu.memory_space<hbm>>) target(%arg15 : memref<32x1024xf32, #tpu.memory_space<vmem>>) offsets(%dma_start3A_18 : memref<32xi32, #tpu.memory_space<vmem>>) semaphore(%arg20 : memref<!tpu.dma_semaphore, #tpu.memory_space<semaphore_mem>>)
    %scan3A_22 = arith.constant 0 : i32
    %scan3A_23 = arith.constant 0 : i32
    %scan3A_24 = arith.constant 66 : i32
    %scan3A_25 = arith.addi %scan3A_23, %scan3A_24 : i32
    %scan3A_26 = arith.constant 1 : i32
    scf.for %scan3A_77 = %scan3A_23 to %scan3A_25 step %scan3A_26  : i32 {
      %mul3A_78 = arith.constant 3 : i32
      %mul3A_79 = arith.muli %scan3A_77, %mul3A_78 : i32
      %add3A_80 = arith.constant 0 : i32
      %add3A_81 = arith.addi %mul3A_79, %add3A_80 : i32
      %dma_wait3A_82 = arith.constant 0 : i32
      %dma_wait3A_83 = tpu.memref_slice %arg9[%dma_wait3A_82] : memref<6400xi32, #tpu.memory_space<vmem>> -> memref<32xi32, #tpu.memory_space<vmem>>
      %dma_wait3A_84 = arith.constant 0 : i32
      %dma_wait3A_85 = arith.constant 0 : i32
      %dma_wait3A_86 = tpu.memref_slice %arg2[%dma_wait3A_84, %dma_wait3A_85] : memref<1000x1024xf32, #tpu.memory_space<hbm>> -> memref<1000x1024xf32, #tpu.memory_space<hbm>>
      tpu.wait_indirect_dma semaphore(%arg19 : memref<!tpu.dma_semaphore, #tpu.memory_space<semaphore_mem>>) src(%dma_wait3A_86 : memref<1000x1024xf32, #tpu.memory_space<hbm>>) dst(%arg14 : memref<32x1024xf32, #tpu.memory_space<vmem>>)
      %mul3A_87 = arith.constant 32 : i32
      %mul3A_88 = arith.muli %add3A_81, %mul3A_87 : i32
      %multiple_of3A_89 = tpu.assume_multiple %mul3A_88, 8 : i32
      %add3A_90 = arith.addi %mul3A_2, %multiple_of3A_89 : i32
      %dma_start3A_91 = arith.constant 0 : i32
      %dma_start3A_92 = tpu.memref_slice %arg7[%add3A_90, %dma_start3A_91] : memref<204800x1024xf32, #tpu.memory_space<hbm>> -> memref<32x1024xf32, #tpu.memory_space<hbm>>
      %dma_start3A_93 = arith.constant 0 : i32
      %dma_start3A_94 = tpu.memref_slice %arg7[%add3A_90, %dma_start3A_93] : memref<204800x1024xf32, #tpu.memory_space<hbm>> -> memref<32x1024xf32, #tpu.memory_space<hbm>>
      tpu.enqueue_dma source(%arg14 : memref<32x1024xf32, #tpu.memory_space<vmem>>) target(%dma_start3A_94 : memref<32x1024xf32, #tpu.memory_space<hbm>>) target_semaphore(%arg22 : memref<!tpu.dma_semaphore, #tpu.memory_space<semaphore_mem>>)
      %ge3A = arith.constant 1 : i32
      %ge3A_95 = arith.cmpi sge, %add3A_81, %ge3A : i32
      %add3A_96 = arith.constant 3 : i32
      %add3A_97 = arith.addi %add3A_81, %add3A_96 : i32
      %sub3A = arith.constant 1 : i32
      %sub3A_98 = arith.subi %add3A_97, %sub3A : i32
      %lt3A = arith.constant 200 : i32
      %lt3A_99 = arith.cmpi slt, %sub3A_98, %lt3A : i32
      %and3A = arith.andi %ge3A_95, %lt3A_99 : i1
      %convert_element_type3A = arith.extui %and3A : i1 to i32
      %cond3A = arith.constant 0 : i32
      %cond3A_100 = arith.cmpi ne, %convert_element_type3A, %cond3A : i32
      scf.if %cond3A_100 {
        %dma_wait3A_173 = arith.constant 0 : i32
        %dma_wait3A_174 = tpu.memref_slice %arg7[%mul3A_2, %dma_wait3A_173] : memref<204800x1024xf32, #tpu.memory_space<hbm>> -> memref<32x1024xf32, #tpu.memory_space<hbm>>
        %dma_wait3A_175 = arith.constant 0 : i32
        %dma_wait3A_176 = tpu.memref_slice %arg7[%mul3A_2, %dma_wait3A_175] : memref<204800x1024xf32, #tpu.memory_space<hbm>> -> memref<32x1024xf32, #tpu.memory_space<hbm>>
        tpu.wait_dma2 semaphore(%arg24 : memref<!tpu.dma_semaphore, #tpu.memory_space<semaphore_mem>>) src(%arg16 : memref<32x1024xf32, #tpu.memory_space<vmem>>) dst(%dma_wait3A_176 : memref<32x1024xf32, #tpu.memory_space<hbm>>)
        %add3A_177 = arith.constant 3 : i32
        %add3A_178 = arith.addi %add3A_81, %add3A_177 : i32
        %sub3A_179 = arith.constant 1 : i32
        %sub3A_180 = arith.subi %add3A_178, %sub3A_179 : i32
        %mul3A_181 = arith.constant 32 : i32
        %mul3A_182 = arith.muli %sub3A_180, %mul3A_181 : i32
        %multiple_of3A_183 = tpu.assume_multiple %mul3A_182, 8 : i32
        %dma_start3A_184 = tpu.memref_slice %arg9[%multiple_of3A_183] : memref<6400xi32, #tpu.memory_space<vmem>> -> memref<32xi32, #tpu.memory_space<vmem>>
        %dma_start3A_185 = arith.constant 0 : i32
        %dma_start3A_186 = arith.constant 0 : i32
        %dma_start3A_187 = tpu.memref_slice %arg2[%dma_start3A_185, %dma_start3A_186] : memref<1000x1024xf32, #tpu.memory_space<hbm>> -> memref<1000x1024xf32, #tpu.memory_space<hbm>>
        tpu.enqueue_indirect_dma source(%dma_start3A_187 : memref<1000x1024xf32, #tpu.memory_space<hbm>>) target(%arg16 : memref<32x1024xf32, #tpu.memory_space<vmem>>) offsets(%dma_start3A_184 : memref<32xi32, #tpu.memory_space<vmem>>) semaphore(%arg21 : memref<!tpu.dma_semaphore, #tpu.memory_space<semaphore_mem>>)
      } else {
      }
      %eq3A = arith.constant 0 : i32
      %eq3A_101 = arith.cmpi eq, %add3A_81, %eq3A : i32
      %convert_element_type3A_102 = arith.extui %eq3A_101 : i1 to i32
      %cond3A_103 = arith.constant 0 : i32
      %cond3A_104 = arith.cmpi ne, %convert_element_type3A_102, %cond3A_103 : i32
      scf.if %cond3A_104 {
        %multiple_of3A_173 = arith.constant 64 : i32
        %multiple_of3A_174 = tpu.assume_multiple %multiple_of3A_173, 8 : i32
        %dma_start3A_175 = tpu.memref_slice %arg9[%multiple_of3A_174] : memref<6400xi32, #tpu.memory_space<vmem>> -> memref<32xi32, #tpu.memory_space<vmem>>
        %dma_start3A_176 = arith.constant 0 : i32
        %dma_start3A_177 = arith.constant 0 : i32
        %dma_start3A_178 = tpu.memref_slice %arg2[%dma_start3A_176, %dma_start3A_177] : memref<1000x1024xf32, #tpu.memory_space<hbm>> -> memref<1000x1024xf32, #tpu.memory_space<hbm>>
        tpu.enqueue_indirect_dma source(%dma_start3A_178 : memref<1000x1024xf32, #tpu.memory_space<hbm>>) target(%arg16 : memref<32x1024xf32, #tpu.memory_space<vmem>>) offsets(%dma_start3A_175 : memref<32xi32, #tpu.memory_space<vmem>>) semaphore(%arg21 : memref<!tpu.dma_semaphore, #tpu.memory_space<semaphore_mem>>)
      } else {
      }
      %mul3A_105 = arith.constant 3 : i32
      %mul3A_106 = arith.muli %scan3A_77, %mul3A_105 : i32
      %add3A_107 = arith.constant 1 : i32
      %add3A_108 = arith.addi %mul3A_106, %add3A_107 : i32
      %dma_wait3A_109 = arith.constant 0 : i32
      %dma_wait3A_110 = tpu.memref_slice %arg9[%dma_wait3A_109] : memref<6400xi32, #tpu.memory_space<vmem>> -> memref<32xi32, #tpu.memory_space<vmem>>
      %dma_wait3A_111 = arith.constant 0 : i32
      %dma_wait3A_112 = arith.constant 0 : i32
      %dma_wait3A_113 = tpu.memref_slice %arg2[%dma_wait3A_111, %dma_wait3A_112] : memref<1000x1024xf32, #tpu.memory_space<hbm>> -> memref<1000x1024xf32, #tpu.memory_space<hbm>>
      tpu.wait_indirect_dma semaphore(%arg20 : memref<!tpu.dma_semaphore, #tpu.memory_space<semaphore_mem>>) src(%dma_wait3A_113 : memref<1000x1024xf32, #tpu.memory_space<hbm>>) dst(%arg15 : memref<32x1024xf32, #tpu.memory_space<vmem>>)
      %mul3A_114 = arith.constant 32 : i32
      %mul3A_115 = arith.muli %add3A_108, %mul3A_114 : i32
      %multiple_of3A_116 = tpu.assume_multiple %mul3A_115, 8 : i32
      %add3A_117 = arith.addi %mul3A_2, %multiple_of3A_116 : i32
      %dma_start3A_118 = arith.constant 0 : i32
      %dma_start3A_119 = tpu.memref_slice %arg7[%add3A_117, %dma_start3A_118] : memref<204800x1024xf32, #tpu.memory_space<hbm>> -> memref<32x1024xf32, #tpu.memory_space<hbm>>
      %dma_start3A_120 = arith.constant 0 : i32
      %dma_start3A_121 = tpu.memref_slice %arg7[%add3A_117, %dma_start3A_120] : memref<204800x1024xf32, #tpu.memory_space<hbm>> -> memref<32x1024xf32, #tpu.memory_space<hbm>>
      tpu.enqueue_dma source(%arg15 : memref<32x1024xf32, #tpu.memory_space<vmem>>) target(%dma_start3A_121 : memref<32x1024xf32, #tpu.memory_space<hbm>>) target_semaphore(%arg23 : memref<!tpu.dma_semaphore, #tpu.memory_space<semaphore_mem>>)
      %ge3A_122 = arith.constant 1 : i32
      %ge3A_123 = arith.cmpi sge, %add3A_108, %ge3A_122 : i32
      %add3A_124 = arith.constant 3 : i32
      %add3A_125 = arith.addi %add3A_108, %add3A_124 : i32
      %sub3A_126 = arith.constant 1 : i32
      %sub3A_127 = arith.subi %add3A_125, %sub3A_126 : i32
      %lt3A_128 = arith.constant 200 : i32
      %lt3A_129 = arith.cmpi slt, %sub3A_127, %lt3A_128 : i32
      %and3A_130 = arith.andi %ge3A_123, %lt3A_129 : i1
      %convert_element_type3A_131 = arith.extui %and3A_130 : i1 to i32
      %cond3A_132 = arith.constant 0 : i32
      %cond3A_133 = arith.cmpi ne, %convert_element_type3A_131, %cond3A_132 : i32
      scf.if %cond3A_133 {
        %dma_wait3A_173 = arith.constant 0 : i32
        %dma_wait3A_174 = tpu.memref_slice %arg7[%mul3A_2, %dma_wait3A_173] : memref<204800x1024xf32, #tpu.memory_space<hbm>> -> memref<32x1024xf32, #tpu.memory_space<hbm>>
        %dma_wait3A_175 = arith.constant 0 : i32
        %dma_wait3A_176 = tpu.memref_slice %arg7[%mul3A_2, %dma_wait3A_175] : memref<204800x1024xf32, #tpu.memory_space<hbm>> -> memref<32x1024xf32, #tpu.memory_space<hbm>>
        tpu.wait_dma2 semaphore(%arg22 : memref<!tpu.dma_semaphore, #tpu.memory_space<semaphore_mem>>) src(%arg14 : memref<32x1024xf32, #tpu.memory_space<vmem>>) dst(%dma_wait3A_176 : memref<32x1024xf32, #tpu.memory_space<hbm>>)
        %add3A_177 = arith.constant 3 : i32
        %add3A_178 = arith.addi %add3A_108, %add3A_177 : i32
        %sub3A_179 = arith.constant 1 : i32
        %sub3A_180 = arith.subi %add3A_178, %sub3A_179 : i32
        %mul3A_181 = arith.constant 32 : i32
        %mul3A_182 = arith.muli %sub3A_180, %mul3A_181 : i32
        %multiple_of3A_183 = tpu.assume_multiple %mul3A_182, 8 : i32
        %dma_start3A_184 = tpu.memref_slice %arg9[%multiple_of3A_183] : memref<6400xi32, #tpu.memory_space<vmem>> -> memref<32xi32, #tpu.memory_space<vmem>>
        %dma_start3A_185 = arith.constant 0 : i32
        %dma_start3A_186 = arith.constant 0 : i32
        %dma_start3A_187 = tpu.memref_slice %arg2[%dma_start3A_185, %dma_start3A_186] : memref<1000x1024xf32, #tpu.memory_space<hbm>> -> memref<1000x1024xf32, #tpu.memory_space<hbm>>
        tpu.enqueue_indirect_dma source(%dma_start3A_187 : memref<1000x1024xf32, #tpu.memory_space<hbm>>) target(%arg14 : memref<32x1024xf32, #tpu.memory_space<vmem>>) offsets(%dma_start3A_184 : memref<32xi32, #tpu.memory_space<vmem>>) semaphore(%arg19 : memref<!tpu.dma_semaphore, #tpu.memory_space<semaphore_mem>>)
      } else {
      }
      %eq3A_134 = arith.constant 0 : i32
      %eq3A_135 = arith.cmpi eq, %add3A_108, %eq3A_134 : i32
      %convert_element_type3A_136 = arith.extui %eq3A_135 : i1 to i32
      %cond3A_137 = arith.constant 0 : i32
      %cond3A_138 = arith.cmpi ne, %convert_element_type3A_136, %cond3A_137 : i32
      scf.if %cond3A_138 {
        %multiple_of3A_173 = arith.constant 64 : i32
        %multiple_of3A_174 = tpu.assume_multiple %multiple_of3A_173, 8 : i32
        %dma_start3A_175 = tpu.memref_slice %arg9[%multiple_of3A_174] : memref<6400xi32, #tpu.memory_space<vmem>> -> memref<32xi32, #tpu.memory_space<vmem>>
        %dma_start3A_176 = arith.constant 0 : i32
        %dma_start3A_177 = arith.constant 0 : i32
        %dma_start3A_178 = tpu.memref_slice %arg2[%dma_start3A_176, %dma_start3A_177] : memref<1000x1024xf32, #tpu.memory_space<hbm>> -> memref<1000x1024xf32, #tpu.memory_space<hbm>>
        tpu.enqueue_indirect_dma source(%dma_start3A_178 : memref<1000x1024xf32, #tpu.memory_space<hbm>>) target(%arg16 : memref<32x1024xf32, #tpu.memory_space<vmem>>) offsets(%dma_start3A_175 : memref<32xi32, #tpu.memory_space<vmem>>) semaphore(%arg21 : memref<!tpu.dma_semaphore, #tpu.memory_space<semaphore_mem>>)
      } else {
      }
      %mul3A_139 = arith.constant 3 : i32
      %mul3A_140 = arith.muli %scan3A_77, %mul3A_139 : i32
      %add3A_141 = arith.constant 2 : i32
      %add3A_142 = arith.addi %mul3A_140, %add3A_141 : i32
      %dma_wait3A_143 = arith.constant 0 : i32
      %dma_wait3A_144 = tpu.memref_slice %arg9[%dma_wait3A_143] : memref<6400xi32, #tpu.memory_space<vmem>> -> memref<32xi32, #tpu.memory_space<vmem>>
      %dma_wait3A_145 = arith.constant 0 : i32
      %dma_wait3A_146 = arith.constant 0 : i32
      %dma_wait3A_147 = tpu.memref_slice %arg2[%dma_wait3A_145, %dma_wait3A_146] : memref<1000x1024xf32, #tpu.memory_space<hbm>> -> memref<1000x1024xf32, #tpu.memory_space<hbm>>
      tpu.wait_indirect_dma semaphore(%arg21 : memref<!tpu.dma_semaphore, #tpu.memory_space<semaphore_mem>>) src(%dma_wait3A_147 : memref<1000x1024xf32, #tpu.memory_space<hbm>>) dst(%arg16 : memref<32x1024xf32, #tpu.memory_space<vmem>>)
      %mul3A_148 = arith.constant 32 : i32
      %mul3A_149 = arith.muli %add3A_142, %mul3A_148 : i32
      %multiple_of3A_150 = tpu.assume_multiple %mul3A_149, 8 : i32
      %add3A_151 = arith.addi %mul3A_2, %multiple_of3A_150 : i32
      %dma_start3A_152 = arith.constant 0 : i32
      %dma_start3A_153 = tpu.memref_slice %arg7[%add3A_151, %dma_start3A_152] : memref<204800x1024xf32, #tpu.memory_space<hbm>> -> memref<32x1024xf32, #tpu.memory_space<hbm>>
      %dma_start3A_154 = arith.constant 0 : i32
      %dma_start3A_155 = tpu.memref_slice %arg7[%add3A_151, %dma_start3A_154] : memref<204800x1024xf32, #tpu.memory_space<hbm>> -> memref<32x1024xf32, #tpu.memory_space<hbm>>
      tpu.enqueue_dma source(%arg16 : memref<32x1024xf32, #tpu.memory_space<vmem>>) target(%dma_start3A_155 : memref<32x1024xf32, #tpu.memory_space<hbm>>) target_semaphore(%arg24 : memref<!tpu.dma_semaphore, #tpu.memory_space<semaphore_mem>>)
      %ge3A_156 = arith.constant 1 : i32
      %ge3A_157 = arith.cmpi sge, %add3A_142, %ge3A_156 : i32
      %add3A_158 = arith.constant 3 : i32
      %add3A_159 = arith.addi %add3A_142, %add3A_158 : i32
      %sub3A_160 = arith.constant 1 : i32
      %sub3A_161 = arith.subi %add3A_159, %sub3A_160 : i32
      %lt3A_162 = arith.constant 200 : i32
      %lt3A_163 = arith.cmpi slt, %sub3A_161, %lt3A_162 : i32
      %and3A_164 = arith.andi %ge3A_157, %lt3A_163 : i1
      %convert_element_type3A_165 = arith.extui %and3A_164 : i1 to i32
      %cond3A_166 = arith.constant 0 : i32
      %cond3A_167 = arith.cmpi ne, %convert_element_type3A_165, %cond3A_166 : i32
      scf.if %cond3A_167 {
        %dma_wait3A_173 = arith.constant 0 : i32
        %dma_wait3A_174 = tpu.memref_slice %arg7[%mul3A_2, %dma_wait3A_173] : memref<204800x1024xf32, #tpu.memory_space<hbm>> -> memref<32x1024xf32, #tpu.memory_space<hbm>>
        %dma_wait3A_175 = arith.constant 0 : i32
        %dma_wait3A_176 = tpu.memref_slice %arg7[%mul3A_2, %dma_wait3A_175] : memref<204800x1024xf32, #tpu.memory_space<hbm>> -> memref<32x1024xf32, #tpu.memory_space<hbm>>
        tpu.wait_dma2 semaphore(%arg23 : memref<!tpu.dma_semaphore, #tpu.memory_space<semaphore_mem>>) src(%arg15 : memref<32x1024xf32, #tpu.memory_space<vmem>>) dst(%dma_wait3A_176 : memref<32x1024xf32, #tpu.memory_space<hbm>>)
        %add3A_177 = arith.constant 3 : i32
        %add3A_178 = arith.addi %add3A_142, %add3A_177 : i32
        %sub3A_179 = arith.constant 1 : i32
        %sub3A_180 = arith.subi %add3A_178, %sub3A_179 : i32
        %mul3A_181 = arith.constant 32 : i32
        %mul3A_182 = arith.muli %sub3A_180, %mul3A_181 : i32
        %multiple_of3A_183 = tpu.assume_multiple %mul3A_182, 8 : i32
        %dma_start3A_184 = tpu.memref_slice %arg9[%multiple_of3A_183] : memref<6400xi32, #tpu.memory_space<vmem>> -> memref<32xi32, #tpu.memory_space<vmem>>
        %dma_start3A_185 = arith.constant 0 : i32
        %dma_start3A_186 = arith.constant 0 : i32
        %dma_start3A_187 = tpu.memref_slice %arg2[%dma_start3A_185, %dma_start3A_186] : memref<1000x1024xf32, #tpu.memory_space<hbm>> -> memref<1000x1024xf32, #tpu.memory_space<hbm>>
        tpu.enqueue_indirect_dma source(%dma_start3A_187 : memref<1000x1024xf32, #tpu.memory_space<hbm>>) target(%arg15 : memref<32x1024xf32, #tpu.memory_space<vmem>>) offsets(%dma_start3A_184 : memref<32xi32, #tpu.memory_space<vmem>>) semaphore(%arg20 : memref<!tpu.dma_semaphore, #tpu.memory_space<semaphore_mem>>)
      } else {
      }
      %eq3A_168 = arith.constant 0 : i32
      %eq3A_169 = arith.cmpi eq, %add3A_142, %eq3A_168 : i32
      %convert_element_type3A_170 = arith.extui %eq3A_169 : i1 to i32
      %cond3A_171 = arith.constant 0 : i32
      %cond3A_172 = arith.cmpi ne, %convert_element_type3A_170, %cond3A_171 : i32
      scf.if %cond3A_172 {
        %multiple_of3A_173 = arith.constant 64 : i32
        %multiple_of3A_174 = tpu.assume_multiple %multiple_of3A_173, 8 : i32
        %dma_start3A_175 = tpu.memref_slice %arg9[%multiple_of3A_174] : memref<6400xi32, #tpu.memory_space<vmem>> -> memref<32xi32, #tpu.memory_space<vmem>>
        %dma_start3A_176 = arith.constant 0 : i32
        %dma_start3A_177 = arith.constant 0 : i32
        %dma_start3A_178 = tpu.memref_slice %arg2[%dma_start3A_176, %dma_start3A_177] : memref<1000x1024xf32, #tpu.memory_space<hbm>> -> memref<1000x1024xf32, #tpu.memory_space<hbm>>
        tpu.enqueue_indirect_dma source(%dma_start3A_178 : memref<1000x1024xf32, #tpu.memory_space<hbm>>) target(%arg16 : memref<32x1024xf32, #tpu.memory_space<vmem>>) offsets(%dma_start3A_175 : memref<32xi32, #tpu.memory_space<vmem>>) semaphore(%arg21 : memref<!tpu.dma_semaphore, #tpu.memory_space<semaphore_mem>>)
      } else {
      }
    }
    %scan3A_27 = arith.constant 66 : i32
    %dma_wait3A = arith.constant 0 : i32
    %dma_wait3A_28 = tpu.memref_slice %arg9[%dma_wait3A] : memref<6400xi32, #tpu.memory_space<vmem>> -> memref<32xi32, #tpu.memory_space<vmem>>
    %dma_wait3A_29 = arith.constant 0 : i32
    %dma_wait3A_30 = arith.constant 0 : i32
    %dma_wait3A_31 = tpu.memref_slice %arg2[%dma_wait3A_29, %dma_wait3A_30] : memref<1000x1024xf32, #tpu.memory_space<hbm>> -> memref<1000x1024xf32, #tpu.memory_space<hbm>>
    tpu.wait_indirect_dma semaphore(%arg19 : memref<!tpu.dma_semaphore, #tpu.memory_space<semaphore_mem>>) src(%dma_wait3A_31 : memref<1000x1024xf32, #tpu.memory_space<hbm>>) dst(%arg14 : memref<32x1024xf32, #tpu.memory_space<vmem>>)
    %multiple_of3A_32 = arith.constant 6336 : i32
    %multiple_of3A_33 = tpu.assume_multiple %multiple_of3A_32, 8 : i32
    %add3A_34 = arith.addi %mul3A_2, %multiple_of3A_33 : i32
    %dma_start3A_35 = arith.constant 0 : i32
    %dma_start3A_36 = tpu.memref_slice %arg7[%add3A_34, %dma_start3A_35] : memref<204800x1024xf32, #tpu.memory_space<hbm>> -> memref<32x1024xf32, #tpu.memory_space<hbm>>
    %dma_start3A_37 = arith.constant 0 : i32
    %dma_start3A_38 = tpu.memref_slice %arg7[%add3A_34, %dma_start3A_37] : memref<204800x1024xf32, #tpu.memory_space<hbm>> -> memref<32x1024xf32, #tpu.memory_space<hbm>>
    tpu.enqueue_dma source(%arg14 : memref<32x1024xf32, #tpu.memory_space<vmem>>) target(%dma_start3A_38 : memref<32x1024xf32, #tpu.memory_space<hbm>>) target_semaphore(%arg22 : memref<!tpu.dma_semaphore, #tpu.memory_space<semaphore_mem>>)
    %dma_wait3A_39 = arith.constant 0 : i32
    %dma_wait3A_40 = tpu.memref_slice %arg9[%dma_wait3A_39] : memref<6400xi32, #tpu.memory_space<vmem>> -> memref<32xi32, #tpu.memory_space<vmem>>
    %dma_wait3A_41 = arith.constant 0 : i32
    %dma_wait3A_42 = arith.constant 0 : i32
    %dma_wait3A_43 = tpu.memref_slice %arg2[%dma_wait3A_41, %dma_wait3A_42] : memref<1000x1024xf32, #tpu.memory_space<hbm>> -> memref<1000x1024xf32, #tpu.memory_space<hbm>>
    tpu.wait_indirect_dma semaphore(%arg20 : memref<!tpu.dma_semaphore, #tpu.memory_space<semaphore_mem>>) src(%dma_wait3A_43 : memref<1000x1024xf32, #tpu.memory_space<hbm>>) dst(%arg15 : memref<32x1024xf32, #tpu.memory_space<vmem>>)
    %multiple_of3A_44 = arith.constant 6368 : i32
    %multiple_of3A_45 = tpu.assume_multiple %multiple_of3A_44, 8 : i32
    %add3A_46 = arith.addi %mul3A_2, %multiple_of3A_45 : i32
    %dma_start3A_47 = arith.constant 0 : i32
    %dma_start3A_48 = tpu.memref_slice %arg7[%add3A_46, %dma_start3A_47] : memref<204800x1024xf32, #tpu.memory_space<hbm>> -> memref<32x1024xf32, #tpu.memory_space<hbm>>
    %dma_start3A_49 = arith.constant 0 : i32
    %dma_start3A_50 = tpu.memref_slice %arg7[%add3A_46, %dma_start3A_49] : memref<204800x1024xf32, #tpu.memory_space<hbm>> -> memref<32x1024xf32, #tpu.memory_space<hbm>>
    tpu.enqueue_dma source(%arg15 : memref<32x1024xf32, #tpu.memory_space<vmem>>) target(%dma_start3A_50 : memref<32x1024xf32, #tpu.memory_space<hbm>>) target_semaphore(%arg23 : memref<!tpu.dma_semaphore, #tpu.memory_space<semaphore_mem>>)
    %dma_wait3A_51 = arith.constant 0 : i32
    %dma_wait3A_52 = tpu.memref_slice %arg7[%mul3A_2, %dma_wait3A_51] : memref<204800x1024xf32, #tpu.memory_space<hbm>> -> memref<32x1024xf32, #tpu.memory_space<hbm>>
    %dma_wait3A_53 = arith.constant 0 : i32
    %dma_wait3A_54 = tpu.memref_slice %arg7[%mul3A_2, %dma_wait3A_53] : memref<204800x1024xf32, #tpu.memory_space<hbm>> -> memref<32x1024xf32, #tpu.memory_space<hbm>>
    tpu.wait_dma2 semaphore(%arg22 : memref<!tpu.dma_semaphore, #tpu.memory_space<semaphore_mem>>) src(%arg14 : memref<32x1024xf32, #tpu.memory_space<vmem>>) dst(%dma_wait3A_54 : memref<32x1024xf32, #tpu.memory_space<hbm>>)
    %dma_wait3A_55 = arith.constant 0 : i32
    %dma_wait3A_56 = tpu.memref_slice %arg7[%mul3A_2, %dma_wait3A_55] : memref<204800x1024xf32, #tpu.memory_space<hbm>> -> memref<32x1024xf32, #tpu.memory_space<hbm>>
    %dma_wait3A_57 = arith.constant 0 : i32
    %dma_wait3A_58 = tpu.memref_slice %arg7[%mul3A_2, %dma_wait3A_57] : memref<204800x1024xf32, #tpu.memory_space<hbm>> -> memref<32x1024xf32, #tpu.memory_space<hbm>>
    tpu.wait_dma2 semaphore(%arg23 : memref<!tpu.dma_semaphore, #tpu.memory_space<semaphore_mem>>) src(%arg15 : memref<32x1024xf32, #tpu.memory_space<vmem>>) dst(%dma_wait3A_58 : memref<32x1024xf32, #tpu.memory_space<hbm>>)
    %dma_wait3A_59 = arith.constant 0 : i32
    %dma_wait3A_60 = tpu.memref_slice %arg7[%mul3A_2, %dma_wait3A_59] : memref<204800x1024xf32, #tpu.memory_space<hbm>> -> memref<32x1024xf32, #tpu.memory_space<hbm>>
    %dma_wait3A_61 = arith.constant 0 : i32
    %dma_wait3A_62 = tpu.memref_slice %arg7[%mul3A_2, %dma_wait3A_61] : memref<204800x1024xf32, #tpu.memory_space<hbm>> -> memref<32x1024xf32, #tpu.memory_space<hbm>>
    tpu.wait_dma2 semaphore(%arg24 : memref<!tpu.dma_semaphore, #tpu.memory_space<semaphore_mem>>) src(%arg16 : memref<32x1024xf32, #tpu.memory_space<vmem>>) dst(%dma_wait3A_62 : memref<32x1024xf32, #tpu.memory_space<hbm>>)
    %dma_wait3A_63 = arith.constant 0 : i32
    %dma_wait3A_64 = tpu.memref_slice %arg5[%dma_wait3A_63] : memref<1000xf32, #tpu.memory_space<hbm>> -> memref<1000xf32, #tpu.memory_space<hbm>>
    tpu.wait_indirect_dma semaphore(%arg17 : memref<!tpu.dma_semaphore, #tpu.memory_space<semaphore_mem>>) src(%dma_wait3A_64 : memref<1000xf32, #tpu.memory_space<hbm>>) dst(%arg11 : memref<6400xf32, #tpu.memory_space<vmem>>)
    %dma_wait3A_65 = arith.constant 0 : i32
    %dma_wait3A_66 = tpu.memref_slice %arg6[%dma_wait3A_65] : memref<1000000xf32, #tpu.memory_space<hbm>> -> memref<1000000xf32, #tpu.memory_space<hbm>>
    tpu.wait_indirect_dma semaphore(%arg18 : memref<!tpu.dma_semaphore, #tpu.memory_space<semaphore_mem>>) src(%dma_wait3A_66 : memref<1000000xf32, #tpu.memory_space<hbm>>) dst(%arg12 : memref<6400xf32, #tpu.memory_space<vmem>>)
    %broadcast_in_dim3A = arith.constant 0.000000e+00 : f32
    %broadcast_in_dim3A_67 = vector.broadcast %broadcast_in_dim3A : f32 to vector<16xf32>
    %scan3A_68 = arith.constant 0 : i32
    %scan3A_69 = arith.constant 400 : i32
    %scan3A_70 = arith.addi %scan3A_68, %scan3A_69 : i32
    %scan3A_71 = arith.constant 1 : i32
    %scan3A_72 = scf.for %scan3A_77 = %scan3A_68 to %scan3A_70 step %scan3A_71 iter_args(%scan3A_78 = %broadcast_in_dim3A_67) -> (vector<16xf32>)  : i32 {
      %mul3A_79 = arith.constant 16 : i32
      %mul3A_80 = arith.muli %scan3A_77, %mul3A_79 : i32
      %multiple_of3A_81 = tpu.assume_multiple %mul3A_80, 8 : i32
      %get3A = arith.index_cast %multiple_of3A_81 : i32 to index
      %get3A_82 = tpu.vector_load %arg11[%get3A] {strides = array<i32>} : memref<6400xf32, #tpu.memory_space<vmem>>, vector<16xf32>,
      %get3A_83 = arith.index_cast %multiple_of3A_81 : i32 to index
      %get3A_84 = tpu.vector_load %arg12[%get3A_83] {strides = array<i32>} : memref<6400xf32, #tpu.memory_space<vmem>>, vector<16xf32>,
      %sub3A = arith.subf %get3A_82, %get3A_84 : vector<16xf32>
      %add3A_85 = arith.addf %scan3A_78, %sub3A : vector<16xf32>
      scf.yield %add3A_85 : vector<16xf32>
    }
    %scan3A_73 = arith.constant 400 : i32
    %swap3A = arith.constant 0 : index
    %swap3A_74 = tpu.vector_load %arg13[%swap3A] {strides = array<i32>} : memref<16xf32, #tpu.memory_space<vmem>>, vector<16xf32>,
    tpu.vector_store %arg13[%swap3A], %scan3A_72 {strides = array<i32>} : memref<16xf32, #tpu.memory_space<vmem>>, vector<16xf32>,
    %mul3A_75 = arith.constant 16 : i32
    %mul3A_76 = arith.muli %add3A, %mul3A_75 : i32
    "tpu.region"() ({
      %run_scoped3A = tpu.sem_alloc : memref<!tpu.dma_semaphore, #tpu.memory_space<semaphore_mem>>
      %dma_start3A_77 = tpu.memref_slice %arg8[%mul3A_76] : memref<512xf32, #tpu.memory_space<hbm>> -> memref<16xf32, #tpu.memory_space<hbm>>
      %dma_start3A_78 = tpu.memref_slice %arg8[%mul3A_76] : memref<512xf32, #tpu.memory_space<hbm>> -> memref<16xf32, #tpu.memory_space<hbm>>
      tpu.enqueue_dma source(%arg13 : memref<16xf32, #tpu.memory_space<vmem>>) target(%dma_start3A_78 : memref<16xf32, #tpu.memory_space<hbm>>) target_semaphore(%run_scoped3A : memref<!tpu.dma_semaphore, #tpu.memory_space<semaphore_mem>>)
      %dma_wait3A_79 = tpu.memref_slice %arg8[%mul3A_76] : memref<512xf32, #tpu.memory_space<hbm>> -> memref<16xf32, #tpu.memory_space<hbm>>
      %dma_wait3A_80 = tpu.memref_slice %arg8[%mul3A_76] : memref<512xf32, #tpu.memory_space<hbm>> -> memref<16xf32, #tpu.memory_space<hbm>>
      tpu.wait_dma2 semaphore(%run_scoped3A : memref<!tpu.dma_semaphore, #tpu.memory_space<semaphore_mem>>) src(%arg13 : memref<16xf32, #tpu.memory_space<vmem>>) dst(%dma_wait3A_80 : memref<16xf32, #tpu.memory_space<hbm>>)
      tpu.yield
    }) : () -> ()
    return
  }
}

module attributes {stable_mosaic.version = 14 : i64} {
  func.func @_logz_body(%arg0: memref<1000x1000xf32, #tpu.memory_space<vmem>>, %arg1: memref<1000xf32, #tpu.memory_space<vmem>>) attributes {dimension_semantics = [], scalar_prefetch = 0 : i64, scratch_operands = 0 : i64, tpu.core_type = #tpu.core_type<tc>} {
    %get3A = arith.constant 0 : index
    %get3A_0 = arith.constant 0 : index
    %get3A_1 = vector.load %arg0[%get3A, %get3A_0] : memref<1000x1000xf32, #tpu.memory_space<vmem>>, vector<1000x1000xf32>
    %reduce_max3A = arith.constant dense<0xFF800000> : vector<1000xf32>
    %reduce_max3A_2 = vector.multi_reduction <maximumf>, %get3A_1, %reduce_max3A [1] : vector<1000x1000xf32> to vector<1000xf32>
    %broadcast_in_dim3A = vector.shape_cast %reduce_max3A_2 : vector<1000xf32> to vector<1000x1xf32>
    %sub3A = vector.broadcast %broadcast_in_dim3A : vector<1000x1xf32> to vector<1000x1000xf32>
    %sub3A_3 = arith.subf %get3A_1, %sub3A : vector<1000x1000xf32>
    %exp3A = math.exp %sub3A_3 : vector<1000x1000xf32>
    %reduce_sum3A = arith.constant dense<0.000000e+00> : vector<1000xf32>
    %reduce_sum3A_4 = vector.multi_reduction <add>, %exp3A, %reduce_sum3A [1] : vector<1000x1000xf32> to vector<1000xf32>
    %log3A = math.log %reduce_sum3A_4 : vector<1000xf32>
    %add3A = arith.addf %reduce_max3A_2, %log3A : vector<1000xf32>
    %swap3A = arith.constant 0 : index
    %swap3A_5 = vector.load %arg1[%swap3A] : memref<1000xf32, #tpu.memory_space<vmem>>, vector<1000xf32>
    tpu.vector_store %arg1[%swap3A], %add3A {strides = array<i32>} : memref<1000xf32, #tpu.memory_space<vmem>>, vector<1000xf32>,
    return
  }
}

module attributes {stable_mosaic.version = 14 : i64} {
  func.func @_reduce_body(%arg0: memref<512xf32, #tpu.memory_space<vmem>>, %arg1: memref<1x1xf32, #tpu.memory_space<vmem>>) attributes {dimension_semantics = [], scalar_prefetch = 0 : i64, scratch_operands = 0 : i64, tpu.core_type = #tpu.core_type<tc>} {
    %get3A = arith.constant 0 : index
    %get3A_0 = vector.load %arg0[%get3A] : memref<512xf32, #tpu.memory_space<vmem>>, vector<512xf32>
    %reduce_sum3A = vector.shape_cast %get3A_0 : vector<512xf32> to vector<1x512xf32>
    %reduce_sum3A_1 = arith.constant dense<0.000000e+00> : vector<1xf32>
    %reduce_sum3A_2 = vector.multi_reduction <add>, %reduce_sum3A, %reduce_sum3A_1 [1] : vector<1x512xf32> to vector<1xf32>
    %reduce_sum3A_3 = vector.shape_cast %reduce_sum3A_2 : vector<1xf32> to vector<1x1xf32>
    %reduce_sum3A_4 = vector.extract %reduce_sum3A_3[0, 0] : f32 from vector<1x1xf32>
    %reshape3A = vector.broadcast %reduce_sum3A_4 : f32 to vector<1x1xf32>
    %mul3A = arith.constant 4.88281239E-6 : f32
    %mul3A_5 = vector.broadcast %mul3A : f32 to vector<1x1xf32>
    %mul3A_6 = arith.mulf %reshape3A, %mul3A_5 : vector<1x1xf32>
    %swap3A = arith.constant 0 : index
    %swap3A_7 = arith.constant 0 : index
    %swap3A_8 = vector.load %arg1[%swap3A, %swap3A_7] : memref<1x1xf32, #tpu.memory_space<vmem>>, vector<1x1xf32>
    tpu.vector_store %arg1[%swap3A, %swap3A_7], %mul3A_6 {strides = array<i32>} : memref<1x1xf32, #tpu.memory_space<vmem>>, vector<1x1xf32>,
    return
  }
}

</mosaic_0001>

<sc_bundles>
// kernel: kernel.5.cloned.1.call-start
scs
__scs_entry_jumppad:
0x0: {  	(pc) =	sbr.rel $0x88, $3  }
0x1: {  	(tag) =	ssettag $0x0;
	lr =	simm.s32 $0x1  }
0x2: {  	[smem:$0x3F9E] =	sst lr;
	_ =	strace $0xD0000000  }
0x3: {  	_ = 	snop  }
0x4: {  	_ = 	snop  }
0x5: {  	_ = 	snop  }
0x6: {  	_ = 	snop  }
0x7: {  	_ = 	snop  }
__scs_overlays_trampoline_lowered:
0x8: {  	[smem:$0x3FAD] =	sst s0  }
0x9: {  	[smem:$0x3FAE] =	sst s1  }
0xa: {  	[smem:$0x3FAF] =	sst s2  }
0xb: {  	[smem:$0x3FB0] =	sst s3  }
0xc: {  	[smem:$0x3FB1] =	sst s4  }
0xd: {  	[smem:$0x3FB2] =	sst s5  }
0xe: {  	[smem:$0x3FB3] =	sst s6  }
0xf: {  	[smem:$0x3FB4] =	sst s7  }
0x10: {  	[smem:$0x3FB5] =	sst s8  }
0x11: {  	[smem:$0x3FB6] =	sst s9;
	s0 =	simm.s32 @!p0 $0x0  }
0x12: {  	s1 =	sld [smem:$0x3F9C];
	s0 =	simm.s32 @p0 $0x1  }
0x13: {  	[smem:$0x3FB7] =	sst s0;
	s0 =	simm.s32 @!p1 $0x0  }
0x14: {  	s2 =	sld [smem:$0x3F9B];
	s0 =	simm.s32 @p1 $0x1  }
0x15: {  	[smem:$0x3FB8] =	sst s0;
	s0 =	simm.s32 @!p2 $0x0  }
0x16: {  	s3 =	sld [smem:$0x3FDB];
	s0 =	simm.s32 @p2 $0x1  }
0x17: {  	s4 =	simm.s32 $0x1BF5;
	[smem:$0x3FBA] =	sst s0  }
0x18: {  	s0 =	sld [smem:$0x3F9D];
	_ =	swait.ge [sflag:s4], $0x0  }
0x19: {  	s7 =	sld [smem:$0x3F9E]  }
0x1a: {  	s8 =	sadd.s32 $0xFFFFE003, lr  }
0x1b: {  	s9 =	sadd.s32 $0xFFFFFEF7, lr;
	s5 =	simm.s32 $0xFFFFFFFF;
	p2 =	slt.u32 s8, $0xFFFFF086  }
0x1c: {  	p1 =	slt.u32 s9, $0xF7A;
	s5 =	simm.s32 @!p2 $0x0  }
0x1d: {  	s5 =	simm.s32 @p1 $0x1;
	p0 =	seq.s32 s7, s2  }
0x1e: {  	s7 =	smul.u32 @!p0 $0xF7A, s2;
	p2 =	seq.s32 @!p0 s5, $0x0  }
0x1f: {  	s9 =	smul.u32 $0xF7A, s1;
	s8 =	simm.s32 @!p0 $0x1BF5;
	p2 =	por !p2, p0  }
0x20: {  	[sflag:s8] =	ssyncset.s32 @!p0 $0xFFFFF086;
	s6 =	sadd.s32 @!p0 s3, s7;
	s7 =	simm.s32 @!p0 $0x108  }
0x21: {  	s3 =	sadd.s32 s3, s9;
	s6 =	sadd.s32 @!p0 $0x88, s6;
	s7 =	simm.s32 @p2 $0x1082  }
0x22: {  	[simem:s7], [sflag:s8] =	dma.local @!p0 [hbm:s6], $0xF7A  }
0x23: {  	s9 =	sor.u32 $0xD0000000, s2;
	s6 =	simm.s32 $0x108;
	_ =	swait.ge @!p0 [sflag:s8], $0x0  }
0x24: {  	s3 =	sadd.s32 $0x88, s3;
	s6 =	simm.s32 @!p1 $0x1082;
	[sflag:s4] =	ssyncset.s32 $0xFFFFF086  }
0x25: {  	[simem:s6], [sflag:s4] =	dma.local [hbm:s3], $0xF7A  }
0x26: {  	[smem:$0x3F9E] =	sst s1;
	(tag) =	ssettag s2;
	_ =	strace s9  }
0x27: {  	s1 =	sld [smem:$0x3FAE]  }
0x28: {  	s2 =	sld [smem:$0x3FAF]  }
0x29: {  	s4 =	sld [smem:$0x3FB1]  }
0x2a: {  	p0 =	seq.s32 s5, $0x0;
	s5 =	sld [smem:$0x3FB2]  }
0x2b: {  	s6 =	sld [smem:$0x3FB3]  }
0x2c: {  	s7 =	sld [smem:$0x3FB4]  }
0x2d: {  	s3 =	simm.s32 $0x108;
	s8 =	sld [smem:$0x3FB5]  }
0x2e: {  	s3 =	simm.s32 @!p0 $0x1082;
	s9 =	sld [smem:$0x3FB6]  }
0x2f: {  	lr =	sadd.s32 s0, s3;
	s0 =	sld [smem:$0x3FAD]  }
0x30: {  	s3 =	sld [smem:$0x3FB0]  }
0x31: {  	[smem:$0x3FB9] =	sst s10  }
0x32: {  	s10 =	sld [smem:$0x3FB7];
	_ =	sdelay $0x3  }
0x33: {  	p0 =	seq.s32 s10, $0x1;
	s10 =	sld [smem:$0x3FB9];
	_ =	sdelay $0x3  }
0x34: {  	[smem:$0x3FB9] =	sst s10  }
0x35: {  	s10 =	sld [smem:$0x3FB8];
	_ =	sdelay $0x3  }
0x36: {  	p1 =	seq.s32 s10, $0x1;
	s10 =	sld [smem:$0x3FB9];
	_ =	sdelay $0x3  }
0x37: {  	[smem:$0x3FB9] =	sst s10  }
0x38: {  	s10 =	sld [smem:$0x3FBA]  }
0x39: {  	_ = 	snop;
	(pc) =	sbr.ind lr, $3  }
0x3a: {  	_ = 	snop  }
0x3b: {  	_ = 	snop  }
0x3c: {  	p2 =	seq.s32 s10, $0x1;
	s10 =	sld [smem:$0x3FB9]  }
0x3d: {  	_ =	shalt  }
0x3e: {  	_ =	shalt  }
0x3f: {  	_ =	shalt  }
0x40: {  	_ =	shalt  }
0x41: {  	_ =	shalt  }
0x42: {  	_ =	shalt  }
0x43: {  	_ =	shalt  }
0x44: {  	_ =	shalt  }
0x45: {  	_ =	shalt  }
0x46: {  	_ =	shalt  }
0x47: {  	_ =	shalt  }
0x48: {  	_ =	shalt  }
0x49: {  	_ =	shalt  }
0x4a: {  	_ =	shalt  }
0x4b: {  	_ =	shalt  }
0x4c: {  	_ =	shalt  }
0x4d: {  	_ =	shalt  }
0x4e: {  	_ =	shalt  }
0x4f: {  	_ =	shalt  }
0x50: {  	_ =	shalt  }
0x51: {  	_ =	shalt  }
0x52: {  	_ =	shalt  }
0x53: {  	_ =	shalt  }
0x54: {  	_ =	shalt  }
0x55: {  	_ =	shalt  }
0x56: {  	_ =	shalt  }
0x57: {  	_ =	shalt  }
0x58: {  	_ =	shalt  }
0x59: {  	_ =	shalt  }
0x5a: {  	_ =	shalt  }
0x5b: {  	_ =	shalt  }
0x5c: {  	_ =	shalt  }
0x5d: {  	_ =	shalt  }
0x5e: {  	_ =	shalt  }
0x5f: {  	_ =	shalt  }
0x60: {  	_ =	shalt  }
0x61: {  	_ =	shalt  }
0x62: {  	_ =	shalt  }
0x63: {  	_ =	shalt  }
0x64: {  	_ =	shalt  }
0x65: {  	_ =	shalt  }
0x66: {  	_ =	shalt  }
0x67: {  	_ =	shalt  }
0x68: {  	_ =	shalt  }
0x69: {  	_ =	shalt  }
0x6a: {  	_ =	shalt  }
0x6b: {  	_ =	shalt  }
0x6c: {  	_ =	shalt  }
0x6d: {  	_ =	shalt  }
0x6e: {  	_ =	shalt  }
0x6f: {  	_ =	shalt  }
0x70: {  	_ =	shalt  }
0x71: {  	_ =	shalt  }
0x72: {  	_ =	shalt  }
0x73: {  	_ =	shalt  }
0x74: {  	_ =	shalt  }
0x75: {  	_ =	shalt  }
0x76: {  	_ =	shalt  }
0x77: {  	_ =	shalt  }
0x78: {  	_ =	shalt  }
0x79: {  	_ =	shalt  }
0x7a: {  	_ =	shalt  }
0x7b: {  	_ =	shalt  }
0x7c: {  	_ =	shalt  }
0x7d: {  	_ =	shalt  }
0x7e: {  	_ =	shalt  }
0x7f: {  	_ =	shalt  }
0x80: {  	_ =	shalt  }
0x81: {  	_ =	shalt  }
0x82: {  	_ =	shalt  }
0x83: {  	_ =	shalt  }
0x84: {  	_ =	shalt  }
0x85: {  	_ =	shalt  }
0x86: {  	_ =	shalt  }
0x87: {  	_ =	shalt  }
.Lfunc_end0:
.L_simem_size_0:
called_computation.1_lowered:
.L_overlay_start_0:
0x88: {  	s2 =	sld [smem:$0x3FD9]  }
0x89: {  	s3 =	sld [smem:$0x3FFE];
	_ =	sdelay $0x1  }
0x8a: {  	s1 =	srdreg.scid  }
0x8b: {  	s0 =	sand.u32 $0x1, s1  }
0x8c: {  	s14 =	sshll.u32 s0, $0xA;
	s2 =	sadd.s32 s3, s2  }
0x8d: {  	s2 =	sadd.s32 s2, s14  }
0x8e: {  	[smem:$0x3FC5] =	sst s2  }
0x8f: {  	_ = 	snop  }
0x90: {  	s2 =	sld [smem:$0x3FD0];
	_ =	sdelay $0x2  }
0x91: {  	s15 =	simm.s32 $0xA;
	s4 =	simm.s32 $0x10  }
0x92: {  	[smem:s4], [sflag:s15] =	dma.local [hbm:s2], $0x1  }
0x93: {  	_ =	swait.eq [sflag:s15], $0x1  }
0x94: {  	[sflag:s15] =	ssyncset.done $0x0  }
0x95: {  	[sflag:s15] =	ssyncadd.s32 $0xFFFFFFFF  }
0x96: {  	s16 =	sld [smem:$0x10];
	(tm) =	ssettm $0x1  }
0x97: {  	s17 =	sld [smem:$0x3FFB];
	_ =	sdelay $0x3  }
0x98: {  	_ =	strace s17  }
0x99: {  	s3 =	sld [smem:$0x3FFC];
	_ =	sdelay $0x3  }
0x9a: {  	_ =	strace s3  }
0x9b: {  	s3 =	sld [smem:$0x3FFD];
	_ =	sdelay $0x3  }
0x9c: {  	_ =	strace s3  }
0x9d: {  	_ =	strace $0x8FFFFFFF  }
0x9e: {  	s18 =	sld [smem:$0x3FDB];
	_ =	sdelay $0x1  }
0x9f: {  	s19 =	simm.s32 $_scs_section_size  }
0xa0: {  	s5 =	simm.s32 $_size__tile_overlayer_lowered;
	s6 =	simm.s32 $_tile_overlayer_lowered  }
0xa1: {  	s22 =	simm.s32 $0x1BFF;
	s21 =	sshll.u32 s6, $0x1;
	s3 =	sadd.s32 s19, s18  }
0xa2: {  	s7 =	simm.s32 $0x0;
	s20 =	sshll.u32 s5, $0x1;
	s5 =	sadd.s32 s21, s3  }
0xa3: {  	[timem:s7], [sflag:s22] =	dma.local [hbm:s5], s20  }
0xa4: {  	_ =	swait.ge [sflag:s22], s20  }
0xa5: {  	s4 =	ssub.s32 $0x0, s20;
	[sflag:s22] =	ssyncset.done $0x0  }
0xa6: {  	[sflag:s22] =	ssyncadd.s32 s4;
	_ =	sdelay $0x1  }
0xa7: {  	s23 =	simm.s32 $0x1B8B  }
0xa8: {  	_ =	swait.ge [sflag:s23], $0x1  }
0xa9: {  	[sflag:s23] =	ssyncset.done $0x0  }
0xaa: {  	s25 =	simm.s32 $0x1B8E;
	s24 =	sld [smem:$0x3FFE];
	[sflag:s23] =	ssyncadd.s32 $0xFFFFFFFF  }
0xab: {  	s26 =	simm.s32 $execute0_lowered;
	[smem:$0x3FD2] =	sst s25  }
0xac: {  	s5 =	sshll.u32 s26, $0x1;
	_ =	strace $0x80000046;
	[dreg:$0x1] =	wrdreg $0xFFFFFFFF  }
0xad: {  	s28 =	simm.s32 $_size_execute0_lowered;
	s3 =	sadd.s32 s3, s5;
	[dreg:$0x0] =	wrdreg $0x0  }
0xae: {  	s5 =	sshll.u32 s28, $0x1;
	[dreg:$0x2] =	wrdreg s3  }
0xaf: {  	[dreg:$0x3] =	wrdreg s5  }
0xb0: {  	[dreg:$0x4] =	wrdreg $0xC0  }
0xb1: {  	_ =	task [dreg:s7], $0x5FFFF  }
0xb2: {  	[dreg:$0x1] =	wrdreg $0xFFFFFFFF  }
0xb3: {  	[dreg:$0x0] =	wrdreg $0x60  }
0xb4: {  	[dreg:$0x2] =	wrdreg s16  }
0xb5: {  	[dreg:$0x3] =	wrdreg s24  }
0xb6: {  	[dreg:$0x4] =	wrdreg $0x9  }
0xb7: {  	_ =	task.clear_ibuf [dreg:s7], $0x5FFFF;
	_ =	strace $0x90000046  }
0xb8: {  	s29 =	simm.s32 $0x9;
	_ =	strace $0x80000048  }
0xb9: {  	_ =	swait.ge [sflag:s29], $0x1  }
0xba: {  	[sflag:s29] =	ssyncadd.s32 $0xFFFFFFFF  }
0xbb: {  	_ =	strace $0x90000048  }
0xbc: {  	_ =	sfence  }
0xbd: {  	s30 =	sld [smem:$0x0];
	_ =	sdelay $0x2  }
0xbe: {  	s31 =	sshll.u32 s1, $0xD;
	s1 =	sshrl.u32 s1, $0x2  }
0xbf: {  	s3 =	sand.u32 $0x4000, s31;
	s1 =	sadd.s32 s1, s30  }
0xc0: {  	s0 =	sor.u32 s3, s0;
	s1 =	sshll.u32 s1, $0x11  }
0xc1: {  	s0 =	sor.u32 s1, s0  }
0xc2: {  	s0 =	sadd.s32 $0x8F2B, s0  }
0xc3: {  	[sflag:s0] =	ssyncadd.remote.s32 $0x1  }
0xc4: {  	_ =	sfence.sel $0xFFFF  }
0xc5: {  	[dreg:$0x0] =	wrdreg $0xFFFFFFFF;
	(pc) =	sbr.abs _section_cstart, $3  }
0xc6: {  	[dreg:$0x1] =	wrdreg $0xFFFFFFFF  }
0xc7: {  	_ =	task.clear_ibuf [dreg:s7], $0x2FFFF;
	_ =	strace $0x9FFFFFFF  }
0xc8: {  	(tm) =	ssettm $0x7FFFFFFF  }
0xc9: {  	_ =	shalt  }
tec
execute0_lowered:
.L_overlay_start_1:
0x0: {  	(tag) =	ssettag $0x1  }
0x1: {  	s0 =	srdreg.scid  }
0x2: {  	s12 =	stileid.u32;
	s2 =	rddreg [dreg:$0x0]  }
0x3: {  	s4 =	rddreg [dreg:$0x1];
	s3 =	simm.s32 $0x0;
	s18 =	simm.s32 $0x1A480  }
0x4: {  	s19 =	simm.s32 $0x1AC80;
	s20 =	simm.s32 $0x1B480;
	s28 =	simm.s32 $0x4  }
0x5: {  	s29 =	simm.s32 $0x6;
	s30 =	simm.s32 $0x5;
	s31 =	simm.s32 $0x7  }
0x6: {  	s0 =	sand.u32 $0x1, s0;
	s1 =	sshll.u32 s12, $0x1;
	[smem:$0x7FF] =	sst s3  }
0x7: {  	s6 =	sadd.s32 $0x1600, s4;
	s21 =	sadd.s32 $0x1800, s4;
	s11 =	sadd.s32 $0x2CC00, s4  }
0x8: {  	s8 =	sadd.s32 $0x100, s2;
	s25 =	smul.u32 $0xC80000, s12;
	s9 =	sadd.s32 $0x200, s2  }
0x9: {  	s10 =	sadd.s32 $0x300, s2;
	_ =	strace $0x80000047;
	[dreg:$0xf] =	wrdreg s6  }
0xa: {  	s12 =	smul.u32 $0x190000, s12;
	s1 =	sor.u32 s0, s1;
	[dreg:$0x10] =	wrdreg s21  }
0xb: {  	s7 =	ssub.s32 $0x2, s0;
	s26 =	smul.u32 $0x640000, s0;
	[dreg:$0x6] =	wrdreg s18  }
0xc: {  	s0 =	smul.u32 $0xC8000, s0;
	s18 =	simm.s32 $0x1900;
	[dreg:$0x7] =	wrdreg s19  }
0xd: {  	[dreg:$0x8] =	wrdreg s20;
	s21 =	simm.s32 $0x1BC80;
	s19 =	simm.s32 $0x6480  }
0xe: {  	s20 =	simm.s32 $0xB480;
	s5 =	smul.u32 $0x1900, s1;
	s22 =	sshll.u32 s1, $0x1  }
0xf: {  	s23 =	sshrl.u32 s7, $0x1;
	s1 =	smul.u32 $0x640000, s1;
	s12 =	sadd.s32 s12, s11  }
0x10: {  	[dreg:$0x9] =	wrdreg s21;
	s21 =	simm.s32 $0xBC80;
	s6 =	ssub.s32 s7, s23  }
0x11: {  	s0 =	sadd.s32 s0, s12;
	s23 =	simm.s32 $0x1CC80;
	s12 =	simm.s32 $0x8C80  }
0x12: {  	s5 =	sshrl.u32 s5, $0x3;
	s1 =	sshrl.u32 s1, $0x3;
	[dreg:$0x3] =	wrdreg s0  }
0x13: {  	s17 =	smax.u32 s6, $0x1;
	[dreg:$0xb] =	wrdreg s23;
	s5 =	sadd.s32 s5, s4  }
0x14: {  	s4 =	sadd.s32 s22, s4;
	[dreg:$0x16] =	wrdreg s17;
	s22 =	simm.s32 $0x1C480  }
0x15: {  	s6 =	simm.s32 $0x7480;
	s24 =	sadd.s32 $0x20200, s5;
	[dreg:$0xa] =	wrdreg s22  }
0x16: {  	s1 =	sadd.s32 s11, s1;
	s5 =	sadd.s32 $0x26600, s5;
	[dreg:$0x11] =	wrdreg s24  }
0x17: {  	s23 =	simm.s32 $0xCC80;
	s13 =	sadd.s32 $0xC6000, s1;
	[dreg:$0x12] =	wrdreg s5  }
0x18: {  	s1 =	sadd.s32 $0xC7000, s1;
	s4 =	sadd.s32 $0x2CA00, s4;
	[dreg:$0x13] =	wrdreg s13  }
0x19: {  	s22 =	simm.s32 $0xC480;
	s5 =	sadd.s32 s26, s25;
	[dreg:$0x14] =	wrdreg s1  }
0x1a: {  	[dreg:$0x15] =	wrdreg s4;
	s1 =	simm.s32 $0x9;
	s24 =	simm.s32 $0x1D480  }
0x1b: {  	s25 =	simm.s32 $0x1DC80;
	s26 =	simm.s32 $0x16480;
	[dreg:$0xc] =	wrdreg s24  }
0x1c: {  	s4 =	simm.s32 $0xE480;
	s7 =	sor.u32 $0x10000, s5;
	[dreg:$0xd] =	wrdreg s25  }
0x1d: {  	s5 =	sor.u32 $0x8000, s5;
	[dreg:$0xe] =	wrdreg s26;
	s26 =	simm.s32 $0x3  }
0x1e: {  	s24 =	simm.s32 $0xD480;
	s25 =	simm.s32 $0xDC80;
	s13 =	sshrl.u32 s7, $0x3  }
0x1f: {  	s15 =	sshrl.u32 s5, $0x3;
	s5 =	simm.s32 $0x0;
	s7 =	simm.s32 $0x7C80  }
0x20: {  	v2 =	vlaneseq.u32;
	s14 =	sadd.s32 s13, s11;
	s16 =	sadd.s32 s15, s11;
	s11 =	simm.s32 $0x8480  }
0x21: {  	vm0 =	vmmov $0xffff;
	v1 =	vshrl.u32 v2, $0x3;
	s13 =	simm.s32 $0x9480;
	s15 =	simm.s32 $0xAC80;
	[dreg:$0x4] =	wrdreg s14  }
0x22: {  	v0 =	vand.u32 $0x7, v2;
	v2 =	vor.u32 $0x8, v2;
	v1 =	vmul.u32 $0x8, v1;
	[dreg:$0x5] =	wrdreg s16;
	s14 =	simm.s32 $0x9C80;
	s16 =	simm.s32 $0xA480  }
.LBB2_1:
0x23: {  	[dreg:$0x17] =	wrdreg s5  }
0x24: {  	s0 =	rddreg [dreg:$0x11]  }
0x25: {  	[tilespmem:s3], [sflag:$0x9] =	stream.linear.gather [hbm4b:s0+s3], $0x1900, $0x38;
	[tilespmem:$0x1E480] =	vst v63  }
0x26: {  	_ =	swait.ge [sflag:s1], $0x1900  }
0x27: {  	[sflag:s1] =	ssyncset.done $0x0  }
0x28: {  	s17 =	rddreg [dreg:$0x12];
	[sflag:s1] =	ssyncadd.s32 $0xFFFFE700  }
0x29: {  	[tilespmem:s18], [sflag:$0x9] =	stream.linear.gather [hbm4b:s17+s3], $0x1900, $0x38;
	[tilespmem:$0x1E480] =	vst v63  }
0x2a: {  	_ =	swait.ge [sflag:s1], $0x1900  }
0x2b: {  	[sflag:s1] =	ssyncset.done $0x0  }
0x2c: {  	s0 =	simm.s32 $0x0;
	[sflag:s1] =	ssyncadd.s32 $0xFFFFE700  }
0x2d: {  	v4 =	vld [tilespmem:s0+$0x0];
	_ =	sdelay $0x1  }
0x2e: {  	v3 =	vld [tilespmem:s0+$0x1900];
	_ =	sdelay $0x2  }
0x2f: {  	v4 =	vmul.u32 $0x3E8, v4  }
0x30: {  	s17 =	simm.s32 $0x80;
	s1 =	simm.s32 $0x10  }
.LBB2_2:
0x31: {  	p0 =	sne.s32 s17, $0x63C0;
	v5 =	vld [tilespmem:s1+$0x0];
	v3 =	vadd.s32 v3, v4  }
0x32: {  	[tilespmem:s0+$0x1900] =	vst v3;
	s0 =	smov.u32 s1  }
.Ltmp0:
0x33: {  	v3 =	vld [tilespmem:s0+$0x1900];
	(pc) =	sbr.rel @p0 .LBB2_2-.Ltmp0, $3  }
0x34: {  	_ =	sdelay $0x1  }
0x35: {  	v4 =	vmul.u32 $0x3E8, v5  }
0x36: {  	s1 =	sshra.s32 s17, $0x2;
	s17 =	sadd.s32 $0x40, s17  }
0x37: {  	v5 =	vld [tilespmem:s1+$0x0];
	v3 =	vadd.s32 v3, v4  }
0x38: {  	[tilespmem:s0+$0x1900] =	vst v3  }
0x39: {  	v3 =	vld [tilespmem:s1+$0x1900];
	_ =	sdelay $0x2  }
0x3a: {  	v59 =	vmul.u32 $0x3E8, v5;
	_ =	sdelay $0x1  }
0x3b: {  	v3 =	vadd.s32 v3, v59  }
0x3c: {  	s5 =	rddreg [dreg:$0xf];
	s17 =	simm.s32 $0x3200;
	[tilespmem:s1+$0x1900] =	vst v3;
	s1 =	simm.s32 $0x0  }
0x3d: {  	[tilespmem:s17], [sflag:$0x1] =	stream.indirect.gather [hbm4b:s5+s18], $0x1, s1, s18, $0xb8;
	[tilespmem:$0x1E480] =	vst v63  }
0x3e: {  	s17 =	rddreg [dreg:$0x10];
	s5 =	simm.s32 $0x4B00  }
0x3f: {  	[tilespmem:s5], [sflag:$0x2] =	stream.indirect.gather [hbm4b:s17+s18], $0x1, s18, s18, $0xb8;
	[tilespmem:$0x1E480] =	vst v63  }
0x40: {  	v3 =	vld [tilespmem:$0x0];
	_ =	sdelay $0x4  }
0x41: {  	v60 =	vshll.u32 v3, $0x3  }
0x42: {  	v3 =	vand.u32 $0x7, v3;
	v4 =	vand.u32 $0xFFFFFFC0, v60  }
0x43: {  	v3 =	vor.u32 v3, v4  }
0x44: {  	v4 =	vperm.xlane v3, v0;
	_ =	sdelay $0x1  }
0x45: {  	v4 =	vadd.s32 v1, v4;
	_ =	sdelay $0x4  }
0x46: {  	[tilespmem:s19], [sflag:$0x3] =	stream.indirect_vreg.gather [hbm4b:s2+s1], $0x80, v4, vm0, $0xb8;
	[tilespmem:$0x1E480] =	vst v63  }
0x47: {  	s5 =	simm.s32 $0x6C80;
	v3 =	vperm.xlane v3, v2  }
0x48: {  	[tilespmem:s5], [sflag:$0x3] =	stream.indirect_vreg.gather [hbm4b:s8+s1], $0x80, v4, vm0, $0xb8;
	[tilespmem:$0x1E480] =	vst v63  }
0x49: {  	v3 =	vadd.s32 v1, v3  }
0x4a: {  	[tilespmem:s6], [sflag:$0x3] =	stream.indirect_vreg.gather [hbm4b:s9+s1], $0x80, v4, vm0, $0xb8;
	[tilespmem:$0x1E480] =	vst v63  }
0x4b: {  	_ = 	snop  }
0x4c: {  	[tilespmem:s7], [sflag:$0x3] =	stream.indirect_vreg.gather [hbm4b:s10+s1], $0x80, v4, vm0, $0xb8;
	[tilespmem:$0x1E480] =	vst v63  }
0x4d: {  	_ = 	snop  }
0x4e: {  	[tilespmem:s11], [sflag:$0x3] =	stream.indirect_vreg.gather [hbm4b:s2+s1], $0x80, v3, vm0, $0xb8;
	[tilespmem:$0x1E480] =	vst v63  }
0x4f: {  	_ = 	snop  }
0x50: {  	[tilespmem:s12], [sflag:$0x3] =	stream.indirect_vreg.gather [hbm4b:s8+s1], $0x80, v3, vm0, $0xb8;
	[tilespmem:$0x1E480] =	vst v63  }
0x51: {  	_ = 	snop  }
0x52: {  	[tilespmem:s13], [sflag:$0x3] =	stream.indirect_vreg.gather [hbm4b:s9+s1], $0x80, v3, vm0, $0xb8;
	[tilespmem:$0x1E480] =	vst v63  }
0x53: {  	_ = 	snop  }
0x54: {  	[tilespmem:s14], [sflag:$0x3] =	stream.indirect_vreg.gather [hbm4b:s10+s1], $0x80, v3, vm0, $0xb8;
	[tilespmem:$0x1E480] =	vst v63  }
0x55: {  	v3 =	vld [tilespmem:$0x10];
	_ =	sdelay $0x4  }
0x56: {  	v61 =	vshll.u32 v3, $0x3  }
0x57: {  	v3 =	vand.u32 $0x7, v3;
	v4 =	vand.u32 $0xFFFFFFC0, v61  }
0x58: {  	v3 =	vor.u32 v3, v4  }
0x59: {  	v4 =	vperm.xlane v3, v0;
	_ =	sdelay $0x1  }
0x5a: {  	v4 =	vadd.s32 v1, v4;
	_ =	sdelay $0x4  }
0x5b: {  	[tilespmem:s16], [sflag:$0x3] =	stream.indirect_vreg.gather [hbm4b:s2+s1], $0x80, v4, vm0, $0xb8;
	[tilespmem:$0x1E480] =	vst v63  }
0x5c: {  	v3 =	vperm.xlane v3, v2  }
0x5d: {  	[tilespmem:s15], [sflag:$0x3] =	stream.indirect_vreg.gather [hbm4b:s8+s1], $0x80, v4, vm0, $0xb8;
	[tilespmem:$0x1E480] =	vst v63  }
0x5e: {  	v3 =	vadd.s32 v1, v3  }
0x5f: {  	[tilespmem:s20], [sflag:$0x3] =	stream.indirect_vreg.gather [hbm4b:s9+s1], $0x80, v4, vm0, $0xb8;
	[tilespmem:$0x1E480] =	vst v63  }
0x60: {  	_ = 	snop  }
0x61: {  	[tilespmem:s21], [sflag:$0x3] =	stream.indirect_vreg.gather [hbm4b:s10+s1], $0x80, v4, vm0, $0xb8;
	[tilespmem:$0x1E480] =	vst v63  }
0x62: {  	_ = 	snop  }
0x63: {  	[tilespmem:s22], [sflag:$0x3] =	stream.indirect_vreg.gather [hbm4b:s2+s1], $0x80, v3, vm0, $0xb8;
	[tilespmem:$0x1E480] =	vst v63  }
0x64: {  	_ = 	snop  }
0x65: {  	[tilespmem:s23], [sflag:$0x3] =	stream.indirect_vreg.gather [hbm4b:s8+s1], $0x80, v3, vm0, $0xb8;
	[tilespmem:$0x1E480] =	vst v63  }
0x66: {  	_ = 	snop  }
0x67: {  	[tilespmem:s24], [sflag:$0x3] =	stream.indirect_vreg.gather [hbm4b:s9+s1], $0x80, v3, vm0, $0xb8;
	[tilespmem:$0x1E480] =	vst v63  }
0x68: {  	_ = 	snop  }
0x69: {  	[tilespmem:s25], [sflag:$0x3] =	stream.indirect_vreg.gather [hbm4b:s10+s1], $0x80, v3, vm0, $0xb8;
	[tilespmem:$0x1E480] =	vst v63  }
0x6a: {  	v3 =	vld [tilespmem:$0x20];
	_ =	sdelay $0x4  }
0x6b: {  	v62 =	vshll.u32 v3, $0x3  }
0x6c: {  	v3 =	vand.u32 $0x7, v3;
	v4 =	vand.u32 $0xFFFFFFC0, v62  }
0x6d: {  	v3 =	vor.u32 v3, v4  }
0x6e: {  	v4 =	vperm.xlane v3, v0;
	_ =	sdelay $0x1  }
0x6f: {  	v4 =	vadd.s32 v1, v4;
	_ =	sdelay $0x4  }
0x70: {  	[tilespmem:s4], [sflag:$0x4] =	stream.indirect_vreg.gather [hbm4b:s2+s1], $0x80, v4, vm0, $0xb8;
	[tilespmem:$0x1E480] =	vst v63  }
0x71: {  	s18 =	simm.s32 $0xEC80;
	v3 =	vperm.xlane v3, v2  }
0x72: {  	[tilespmem:s18], [sflag:$0x4] =	stream.indirect_vreg.gather [hbm4b:s8+s1], $0x80, v4, vm0, $0xb8;
	[tilespmem:$0x1E480] =	vst v63  }
0x73: {  	s17 =	simm.s32 $0xF480;
	v3 =	vadd.s32 v1, v3  }
0x74: {  	[tilespmem:s17], [sflag:$0x4] =	stream.indirect_vreg.gather [hbm4b:s9+s1], $0x80, v4, vm0, $0xb8;
	[tilespmem:$0x1E480] =	vst v63  }
0x75: {  	s18 =	simm.s32 $0xFC80  }
0x76: {  	[tilespmem:s18], [sflag:$0x4] =	stream.indirect_vreg.gather [hbm4b:s10+s1], $0x80, v4, vm0, $0xb8;
	[tilespmem:$0x1E480] =	vst v63  }
0x77: {  	s17 =	simm.s32 $0x10480  }
0x78: {  	[tilespmem:s17], [sflag:$0x4] =	stream.indirect_vreg.gather [hbm4b:s2+s1], $0x80, v3, vm0, $0xb8;
	[tilespmem:$0x1E480] =	vst v63  }
0x79: {  	s18 =	simm.s32 $0x10C80  }
0x7a: {  	[tilespmem:s18], [sflag:$0x4] =	stream.indirect_vreg.gather [hbm4b:s8+s1], $0x80, v3, vm0, $0xb8;
	[tilespmem:$0x1E480] =	vst v63  }
0x7b: {  	s17 =	simm.s32 $0x11480  }
0x7c: {  	[tilespmem:s17], [sflag:$0x4] =	stream.indirect_vreg.gather [hbm4b:s9+s1], $0x80, v3, vm0, $0xb8;
	[tilespmem:$0x1E480] =	vst v63  }
0x7d: {  	s18 =	simm.s32 $0x11C80  }
0x7e: {  	[tilespmem:s18], [sflag:$0x4] =	stream.indirect_vreg.gather [hbm4b:s10+s1], $0x80, v3, vm0, $0xb8;
	[tilespmem:$0x1E480] =	vst v63  }
0x7f: {  	v3 =	vld [tilespmem:$0x30];
	_ =	sdelay $0x4  }
0x80: {  	v63 =	vshll.u32 v3, $0x3  }
0x81: {  	v3 =	vand.u32 $0x7, v3;
	v4 =	vand.u32 $0xFFFFFFC0, v63  }
0x82: {  	v3 =	vor.u32 v3, v4  }
0x83: {  	v4 =	vperm.xlane v3, v0;
	_ =	sdelay $0x1  }
0x84: {  	v4 =	vadd.s32 v1, v4;
	_ =	sdelay $0x3  }
0x85: {  	s17 =	simm.s32 $0x12480  }
0x86: {  	[tilespmem:s17], [sflag:$0x4] =	stream.indirect_vreg.gather [hbm4b:s2+s1], $0x80, v4, vm0, $0xb8;
	[tilespmem:$0x1E480] =	vst v63  }
0x87: {  	s18 =	simm.s32 $0x12C80;
	v3 =	vperm.xlane v3, v2  }
0x88: {  	[tilespmem:s18], [sflag:$0x4] =	stream.indirect_vreg.gather [hbm4b:s8+s1], $0x80, v4, vm0, $0xb8;
	[tilespmem:$0x1E480] =	vst v63  }
0x89: {  	v3 =	vadd.s32 v1, v3;
	s17 =	simm.s32 $0x13480  }
0x8a: {  	[tilespmem:s17], [sflag:$0x4] =	stream.indirect_vreg.gather [hbm4b:s9+s1], $0x80, v4, vm0, $0xb8;
	[tilespmem:$0x1E480] =	vst v63  }
0x8b: {  	s18 =	simm.s32 $0x13C80  }
0x8c: {  	[tilespmem:s18], [sflag:$0x4] =	stream.indirect_vreg.gather [hbm4b:s10+s1], $0x80, v4, vm0, $0xb8;
	[tilespmem:$0x1E480] =	vst v63  }
0x8d: {  	s17 =	simm.s32 $0x14480  }
0x8e: {  	[tilespmem:s17], [sflag:$0x4] =	stream.indirect_vreg.gather [hbm4b:s2+s1], $0x80, v3, vm0, $0xb8;
	[tilespmem:$0x1E480] =	vst v63  }
0x8f: {  	s18 =	simm.s32 $0x14C80  }
0x90: {  	[tilespmem:s18], [sflag:$0x4] =	stream.indirect_vreg.gather [hbm4b:s8+s1], $0x80, v3, vm0, $0xb8;
	[tilespmem:$0x1E480] =	vst v63  }
0x91: {  	s17 =	simm.s32 $0x15480  }
0x92: {  	[tilespmem:s17], [sflag:$0x4] =	stream.indirect_vreg.gather [hbm4b:s9+s1], $0x80, v3, vm0, $0xb8;
	[tilespmem:$0x1E480] =	vst v63  }
0x93: {  	s0 =	simm.s32 $0x50;
	s18 =	simm.s32 $0x15C80  }
0x94: {  	[tilespmem:s18], [sflag:$0x4] =	stream.indirect_vreg.gather [hbm4b:s10+s1], $0x80, v3, vm0, $0xb8;
	[tilespmem:$0x1E480] =	vst v63  }
.LBB2_4:
0x95: {  	_ =	swait.ge [sflag:s26], $0x8000  }
0x96: {  	s17 =	rddreg [dreg:$0x3];
	[sflag:s26] =	ssyncset.done $0x0  }
0x97: {  	p0 =	seq.s32 s1, $0x0;
	[sflag:s26] =	ssyncadd.s32 $0xFFFF8000;
	s17 =	sadd.s32 s1, s17  }
0x98: {  	[hbm4b:s17+s3] =	stream.linear.scatter [tilespmem:s19], [sflag:$0x6], $0x8000, $0x38;
	[tilespmem:$0x1E480] =	vst v63  }
0x99: {  	v3 =	vld @p0 [tilespmem:$0x40];
	_ =	sdelay $0x4  }
0x9a: {  	v4 =	vshll.u32 @p0 v3, $0x3  }
0x9b: {  	v5 =	vlaneseq.u32 @p0;
	v3 =	vand.u32 @p0 $0x7, v3;
	v4 =	vand.u32 @p0 $0xFFFFFFC0, v4  }
0x9c: {  	v6 =	vshrl.u32 @p0 v5, $0x3;
	v3 =	vor.u32 @p0 v3, v4;
	v4 =	vand.u32 @p0 $0x7, v5  }
0x9d: {  	v6 =	vmul.u32 @p0 $0x8, v6;
	v4 =	vperm.xlane @p0 v3, v4;
	_ =	sdelay $0x1  }
0x9e: {  	v4 =	vadd.s32 @p0 v6, v4;
	_ =	sdelay $0x3  }
0x9f: {  	vm1 =	vmmov @p0 $0xffff;
	s18 =	simm.s32 @p0 $0x16480;
	s17 =	simm.s32 @p0 $0x0  }
0xa0: {  	v5 =	vor.u32 @p0 $0x8, v5;
	[tilespmem:s18], [sflag:$0x5] =	stream.indirect_vreg.gather @p0 [hbm4b:s2+s17], $0x80, v4, vm1, $0xb8;
	[tilespmem:$0x1E480] =	vst v63  }
0xa1: {  	v3 =	vperm.xlane @p0 v3, v5;
	s18 =	simm.s32 @p0 $0x16C80  }
0xa2: {  	[tilespmem:s18], [sflag:$0x5] =	stream.indirect_vreg.gather @p0 [hbm4b:s8+s17], $0x80, v4, vm1, $0xb8;
	[tilespmem:$0x1E480] =	vst v63  }
0xa3: {  	v3 =	vadd.s32 @p0 v6, v3;
	s18 =	simm.s32 @p0 $0x17480  }
0xa4: {  	[tilespmem:s18], [sflag:$0x5] =	stream.indirect_vreg.gather @p0 [hbm4b:s9+s17], $0x80, v4, vm1, $0xb8;
	[tilespmem:$0x1E480] =	vst v63  }
0xa5: {  	s18 =	simm.s32 @p0 $0x17C80  }
0xa6: {  	[tilespmem:s18], [sflag:$0x5] =	stream.indirect_vreg.gather @p0 [hbm4b:s10+s17], $0x80, v4, vm1, $0xb8;
	[tilespmem:$0x1E480] =	vst v63  }
0xa7: {  	s18 =	simm.s32 @p0 $0x18480  }
0xa8: {  	[tilespmem:s18], [sflag:$0x5] =	stream.indirect_vreg.gather @p0 [hbm4b:s2+s17], $0x80, v3, vm1, $0xb8;
	[tilespmem:$0x1E480] =	vst v63  }
0xa9: {  	s18 =	simm.s32 @p0 $0x18C80  }
0xaa: {  	[tilespmem:s18], [sflag:$0x5] =	stream.indirect_vreg.gather @p0 [hbm4b:s8+s17], $0x80, v3, vm1, $0xb8;
	[tilespmem:$0x1E480] =	vst v63  }
0xab: {  	s18 =	simm.s32 @p0 $0x19480  }
0xac: {  	[tilespmem:s18], [sflag:$0x5] =	stream.indirect_vreg.gather @p0 [hbm4b:s9+s17], $0x80, v3, vm1, $0xb8;
	[tilespmem:$0x1E480] =	vst v63  }
0xad: {  	s18 =	simm.s32 @p0 $0x19C80  }
0xae: {  	[tilespmem:s18], [sflag:$0x5] =	stream.indirect_vreg.gather @p0 [hbm4b:s10+s17], $0x80, v3, vm1, $0xb8;
	[tilespmem:$0x1E480] =	vst v63  }
0xaf: {  	s17 =	simm.s32 @!p0 $0x8  }
0xb0: {  	_ =	swait.ge @!p0 [sflag:s17], $0x8000  }
0xb1: {  	[sflag:s17] =	ssyncset.done @!p0 $0x0  }
0xb2: {  	[sflag:s17] =	ssyncadd.s32 @!p0 $0xFFFF8000  }
0xb3: {  	v3 =	vld @!p0 [tilespmem:s0+$0xFFFFFFF0];
	_ =	sdelay $0x4  }
0xb4: {  	v4 =	vshll.u32 @!p0 v3, $0x3  }
0xb5: {  	v5 =	vlaneseq.u32 @!p0;
	v3 =	vand.u32 @!p0 $0x7, v3;
	v4 =	vand.u32 @!p0 $0xFFFFFFC0, v4  }
0xb6: {  	v6 =	vshrl.u32 @!p0 v5, $0x3;
	v3 =	vor.u32 @!p0 v3, v4;
	v4 =	vand.u32 @!p0 $0x7, v5  }
0xb7: {  	v6 =	vmul.u32 @!p0 $0x8, v6;
	v4 =	vperm.xlane @!p0 v3, v4;
	_ =	sdelay $0x1  }
0xb8: {  	v4 =	vadd.s32 @!p0 v6, v4;
	_ =	sdelay $0x3  }
0xb9: {  	vm1 =	vmmov @!p0 $0xffff;
	s18 =	simm.s32 @!p0 $0x16480;
	s17 =	simm.s32 @!p0 $0x0  }
0xba: {  	v5 =	vor.u32 @!p0 $0x8, v5;
	[tilespmem:s18], [sflag:$0x5] =	stream.indirect_vreg.gather @!p0 [hbm4b:s2+s17], $0x80, v4, vm1, $0xb8;
	[tilespmem:$0x1E480] =	vst v63  }
0xbb: {  	v3 =	vperm.xlane @!p0 v3, v5;
	s18 =	simm.s32 @!p0 $0x16C80  }
0xbc: {  	[tilespmem:s18], [sflag:$0x5] =	stream.indirect_vreg.gather @!p0 [hbm4b:s8+s17], $0x80, v4, vm1, $0xb8;
	[tilespmem:$0x1E480] =	vst v63  }
0xbd: {  	v3 =	vadd.s32 @!p0 v6, v3;
	s18 =	simm.s32 @!p0 $0x17480  }
0xbe: {  	[tilespmem:s18], [sflag:$0x5] =	stream.indirect_vreg.gather @!p0 [hbm4b:s9+s17], $0x80, v4, vm1, $0xb8;
	[tilespmem:$0x1E480] =	vst v63  }
0xbf: {  	s18 =	simm.s32 @!p0 $0x17C80  }
0xc0: {  	[tilespmem:s18], [sflag:$0x5] =	stream.indirect_vreg.gather @!p0 [hbm4b:s10+s17], $0x80, v4, vm1, $0xb8;
	[tilespmem:$0x1E480] =	vst v63  }
0xc1: {  	s18 =	simm.s32 @!p0 $0x18480  }
0xc2: {  	[tilespmem:s18], [sflag:$0x5] =	stream.indirect_vreg.gather @!p0 [hbm4b:s2+s17], $0x80, v3, vm1, $0xb8;
	[tilespmem:$0x1E480] =	vst v63  }
0xc3: {  	s18 =	simm.s32 @!p0 $0x18C80  }
0xc4: {  	[tilespmem:s18], [sflag:$0x5] =	stream.indirect_vreg.gather @!p0 [hbm4b:s8+s17], $0x80, v3, vm1, $0xb8;
	[tilespmem:$0x1E480] =	vst v63  }
0xc5: {  	s18 =	simm.s32 @!p0 $0x19480  }
0xc6: {  	[tilespmem:s18], [sflag:$0x5] =	stream.indirect_vreg.gather @!p0 [hbm4b:s9+s17], $0x80, v3, vm1, $0xb8;
	[tilespmem:$0x1E480] =	vst v63  }
0xc7: {  	s18 =	simm.s32 @!p0 $0x19C80  }
0xc8: {  	[tilespmem:s18], [sflag:$0x5] =	stream.indirect_vreg.gather @!p0 [hbm4b:s10+s17], $0x80, v3, vm1, $0xb8;
	[tilespmem:$0x1E480] =	vst v63  }
0xc9: {  	s17 =	smov.u32 s0  }
0xca: {  	s17 =	simm.s32 @p0 $0x50  }
0xcb: {  	v3 =	vld [tilespmem:s17+$0x0];
	_ =	sdelay $0x4  }
0xcc: {  	v59 =	vshll.u32 v3, $0x3  }
0xcd: {  	v3 =	vand.u32 $0x7, v3;
	v4 =	vand.u32 $0xFFFFFFC0, v59  }
0xce: {  	v3 =	vor.u32 v3, v4  }
0xcf: {  	v4 =	vperm.xlane v3, v0;
	_ =	sdelay $0x1  }
0xd0: {  	v4 =	vadd.s32 v1, v4;
	_ =	sdelay $0x3  }
0xd1: {  	s17 =	rddreg [dreg:$0x6]  }
0xd2: {  	[tilespmem:s17], [sflag:$0x5] =	stream.indirect_vreg.gather [hbm4b:s2+s3], $0x80, v4, vm0, $0xb8;
	[tilespmem:$0x1E480] =	vst v63  }
0xd3: {  	s18 =	rddreg [dreg:$0x7];
	v3 =	vperm.xlane v3, v2  }
0xd4: {  	[tilespmem:s18], [sflag:$0x5] =	stream.indirect_vreg.gather [hbm4b:s8+s3], $0x80, v4, vm0, $0xb8;
	[tilespmem:$0x1E480] =	vst v63  }
0xd5: {  	v3 =	vadd.s32 v1, v3;
	s17 =	rddreg [dreg:$0x8]  }
0xd6: {  	[tilespmem:s17], [sflag:$0x5] =	stream.indirect_vreg.gather [hbm4b:s9+s3], $0x80, v4, vm0, $0xb8;
	[tilespmem:$0x1E480] =	vst v63  }
0xd7: {  	s18 =	rddreg [dreg:$0x9]  }
0xd8: {  	[tilespmem:s18], [sflag:$0x5] =	stream.indirect_vreg.gather [hbm4b:s10+s3], $0x80, v4, vm0, $0xb8;
	[tilespmem:$0x1E480] =	vst v63  }
0xd9: {  	s17 =	rddreg [dreg:$0xa]  }
0xda: {  	[tilespmem:s17], [sflag:$0x5] =	stream.indirect_vreg.gather [hbm4b:s2+s3], $0x80, v3, vm0, $0xb8;
	[tilespmem:$0x1E480] =	vst v63  }
0xdb: {  	s18 =	rddreg [dreg:$0xb]  }
0xdc: {  	[tilespmem:s18], [sflag:$0x5] =	stream.indirect_vreg.gather [hbm4b:s8+s3], $0x80, v3, vm0, $0xb8;
	[tilespmem:$0x1E480] =	vst v63  }
0xdd: {  	s17 =	rddreg [dreg:$0xc]  }
0xde: {  	[tilespmem:s17], [sflag:$0x5] =	stream.indirect_vreg.gather [hbm4b:s9+s3], $0x80, v3, vm0, $0xb8;
	[tilespmem:$0x1E480] =	vst v63  }
0xdf: {  	s18 =	rddreg [dreg:$0xd]  }
0xe0: {  	[tilespmem:s18], [sflag:$0x5] =	stream.indirect_vreg.gather [hbm4b:s10+s3], $0x80, v3, vm0, $0xb8;
	[tilespmem:$0x1E480] =	vst v63  }
0xe1: {  	_ =	swait.ge [sflag:s28], $0x8000  }
0xe2: {  	s18 =	rddreg [dreg:$0x5];
	[sflag:s28] =	ssyncset.done $0x0  }
0xe3: {  	[sflag:s28] =	ssyncadd.s32 $0xFFFF8000;
	s17 =	sadd.s32 s1, s18  }
0xe4: {  	[hbm4b:s17+s3] =	stream.linear.scatter [tilespmem:s4], [sflag:$0x7], $0x8000, $0x38;
	[tilespmem:$0x1E480] =	vst v63  }
0xe5: {  	_ =	swait.ge [sflag:s29], $0x8000  }
0xe6: {  	[sflag:s29] =	ssyncset.done $0x0  }
0xe7: {  	[sflag:s29] =	ssyncadd.s32 $0xFFFF8000  }
0xe8: {  	v3 =	vld [tilespmem:s0+$0x10];
	_ =	sdelay $0x4  }
0xe9: {  	v60 =	vshll.u32 v3, $0x3  }
0xea: {  	v3 =	vand.u32 $0x7, v3;
	v4 =	vand.u32 $0xFFFFFFC0, v60  }
0xeb: {  	v3 =	vor.u32 v3, v4  }
0xec: {  	v4 =	vperm.xlane v3, v0;
	_ =	sdelay $0x1  }
0xed: {  	v4 =	vadd.s32 v1, v4;
	_ =	sdelay $0x4  }
0xee: {  	[tilespmem:s19], [sflag:$0x3] =	stream.indirect_vreg.gather [hbm4b:s2+s3], $0x80, v4, vm0, $0xb8;
	[tilespmem:$0x1E480] =	vst v63  }
0xef: {  	v3 =	vperm.xlane v3, v2  }
0xf0: {  	[tilespmem:s5], [sflag:$0x3] =	stream.indirect_vreg.gather [hbm4b:s8+s3], $0x80, v4, vm0, $0xb8;
	[tilespmem:$0x1E480] =	vst v63  }
0xf1: {  	v3 =	vadd.s32 v1, v3  }
0xf2: {  	[tilespmem:s6], [sflag:$0x3] =	stream.indirect_vreg.gather [hbm4b:s9+s3], $0x80, v4, vm0, $0xb8;
	[tilespmem:$0x1E480] =	vst v63  }
0xf3: {  	_ = 	snop  }
0xf4: {  	[tilespmem:s7], [sflag:$0x3] =	stream.indirect_vreg.gather [hbm4b:s10+s3], $0x80, v4, vm0, $0xb8;
	[tilespmem:$0x1E480] =	vst v63  }
0xf5: {  	_ = 	snop  }
0xf6: {  	[tilespmem:s11], [sflag:$0x3] =	stream.indirect_vreg.gather [hbm4b:s2+s3], $0x80, v3, vm0, $0xb8;
	[tilespmem:$0x1E480] =	vst v63  }
0xf7: {  	_ = 	snop  }
0xf8: {  	[tilespmem:s12], [sflag:$0x3] =	stream.indirect_vreg.gather [hbm4b:s8+s3], $0x80, v3, vm0, $0xb8;
	[tilespmem:$0x1E480] =	vst v63  }
0xf9: {  	_ = 	snop  }
0xfa: {  	[tilespmem:s13], [sflag:$0x3] =	stream.indirect_vreg.gather [hbm4b:s9+s3], $0x80, v3, vm0, $0xb8;
	[tilespmem:$0x1E480] =	vst v63  }
0xfb: {  	_ = 	snop  }
0xfc: {  	[tilespmem:s14], [sflag:$0x3] =	stream.indirect_vreg.gather [hbm4b:s10+s3], $0x80, v3, vm0, $0xb8;
	[tilespmem:$0x1E480] =	vst v63  }
0xfd: {  	v3 =	vld [tilespmem:s0+$0x20];
	_ =	sdelay $0x4  }
0xfe: {  	v61 =	vshll.u32 v3, $0x3  }
0xff: {  	v3 =	vand.u32 $0x7, v3;
	v4 =	vand.u32 $0xFFFFFFC0, v61  }
0x100: {  	v3 =	vor.u32 v3, v4  }
0x101: {  	v4 =	vperm.xlane v3, v0;
	_ =	sdelay $0x1  }
0x102: {  	v4 =	vadd.s32 v1, v4;
	_ =	sdelay $0x4  }
0x103: {  	[tilespmem:s16], [sflag:$0x3] =	stream.indirect_vreg.gather [hbm4b:s2+s3], $0x80, v4, vm0, $0xb8;
	[tilespmem:$0x1E480] =	vst v63  }
0x104: {  	v3 =	vperm.xlane v3, v2  }
0x105: {  	[tilespmem:s15], [sflag:$0x3] =	stream.indirect_vreg.gather [hbm4b:s8+s3], $0x80, v4, vm0, $0xb8;
	[tilespmem:$0x1E480] =	vst v63  }
0x106: {  	v3 =	vadd.s32 v1, v3  }
0x107: {  	[tilespmem:s20], [sflag:$0x3] =	stream.indirect_vreg.gather [hbm4b:s9+s3], $0x80, v4, vm0, $0xb8;
	[tilespmem:$0x1E480] =	vst v63  }
0x108: {  	_ = 	snop  }
0x109: {  	[tilespmem:s21], [sflag:$0x3] =	stream.indirect_vreg.gather [hbm4b:s10+s3], $0x80, v4, vm0, $0xb8;
	[tilespmem:$0x1E480] =	vst v63  }
0x10a: {  	_ = 	snop  }
0x10b: {  	[tilespmem:s22], [sflag:$0x3] =	stream.indirect_vreg.gather [hbm4b:s2+s3], $0x80, v3, vm0, $0xb8;
	[tilespmem:$0x1E480] =	vst v63  }
0x10c: {  	_ = 	snop  }
0x10d: {  	[tilespmem:s23], [sflag:$0x3] =	stream.indirect_vreg.gather [hbm4b:s8+s3], $0x80, v3, vm0, $0xb8;
	[tilespmem:$0x1E480] =	vst v63  }
0x10e: {  	_ = 	snop  }
0x10f: {  	[tilespmem:s24], [sflag:$0x3] =	stream.indirect_vreg.gather [hbm4b:s9+s3], $0x80, v3, vm0, $0xb8;
	[tilespmem:$0x1E480] =	vst v63  }
0x110: {  	_ = 	snop  }
0x111: {  	[tilespmem:s25], [sflag:$0x3] =	stream.indirect_vreg.gather [hbm4b:s10+s3], $0x80, v3, vm0, $0xb8;
	[tilespmem:$0x1E480] =	vst v63  }
0x112: {  	_ =	swait.ge [sflag:s30], $0x8000  }
0x113: {  	s17 =	rddreg [dreg:$0x4];
	[sflag:s30] =	ssyncset.done $0x0  }
0x114: {  	s18 =	rddreg [dreg:$0xe];
	[sflag:s30] =	ssyncadd.s32 $0xFFFF8000;
	s17 =	sadd.s32 s1, s17  }
0x115: {  	[hbm4b:s17+s3] =	stream.linear.scatter [tilespmem:s18], [sflag:$0x8], $0x8000, $0x38;
	[tilespmem:$0x1E480] =	vst v63  }
0x116: {  	_ =	swait.ge [sflag:s31], $0x8000  }
0x117: {  	[sflag:s31] =	ssyncset.done $0x0  }
0x118: {  	[sflag:s31] =	ssyncadd.s32 $0xFFFF8000  }
0x119: {  	v3 =	vld [tilespmem:s0+$0x30];
	_ =	sdelay $0x4  }
0x11a: {  	v62 =	vshll.u32 v3, $0x3  }
0x11b: {  	v3 =	vand.u32 $0x7, v3;
	v4 =	vand.u32 $0xFFFFFFC0, v62  }
0x11c: {  	v3 =	vor.u32 v3, v4  }
0x11d: {  	v4 =	vperm.xlane v3, v0;
	_ =	sdelay $0x1  }
0x11e: {  	v4 =	vadd.s32 v1, v4;
	_ =	sdelay $0x4  }
0x11f: {  	[tilespmem:s4], [sflag:$0x4] =	stream.indirect_vreg.gather [hbm4b:s2+s3], $0x80, v4, vm0, $0xb8;
	[tilespmem:$0x1E480] =	vst v63  }
0x120: {  	s18 =	simm.s32 $0xEC80;
	v3 =	vperm.xlane v3, v2  }
0x121: {  	[tilespmem:s18], [sflag:$0x4] =	stream.indirect_vreg.gather [hbm4b:s8+s3], $0x80, v4, vm0, $0xb8;
	[tilespmem:$0x1E480] =	vst v63  }
0x122: {  	v3 =	vadd.s32 v1, v3;
	s18 =	simm.s32 $0xF480  }
0x123: {  	[tilespmem:s18], [sflag:$0x4] =	stream.indirect_vreg.gather [hbm4b:s9+s3], $0x80, v4, vm0, $0xb8;
	[tilespmem:$0x1E480] =	vst v63  }
0x124: {  	s18 =	simm.s32 $0xFC80  }
0x125: {  	[tilespmem:s18], [sflag:$0x4] =	stream.indirect_vreg.gather [hbm4b:s10+s3], $0x80, v4, vm0, $0xb8;
	[tilespmem:$0x1E480] =	vst v63  }
0x126: {  	s18 =	simm.s32 $0x10480  }
0x127: {  	[tilespmem:s18], [sflag:$0x4] =	stream.indirect_vreg.gather [hbm4b:s2+s3], $0x80, v3, vm0, $0xb8;
	[tilespmem:$0x1E480] =	vst v63  }
0x128: {  	s18 =	simm.s32 $0x10C80  }
0x129: {  	[tilespmem:s18], [sflag:$0x4] =	stream.indirect_vreg.gather [hbm4b:s8+s3], $0x80, v3, vm0, $0xb8;
	[tilespmem:$0x1E480] =	vst v63  }
0x12a: {  	s18 =	simm.s32 $0x11480  }
0x12b: {  	[tilespmem:s18], [sflag:$0x4] =	stream.indirect_vreg.gather [hbm4b:s9+s3], $0x80, v3, vm0, $0xb8;
	[tilespmem:$0x1E480] =	vst v63  }
0x12c: {  	s18 =	simm.s32 $0x11C80  }
0x12d: {  	[tilespmem:s18], [sflag:$0x4] =	stream.indirect_vreg.gather [hbm4b:s10+s3], $0x80, v3, vm0, $0xb8;
	[tilespmem:$0x1E480] =	vst v63  }
0x12e: {  	v3 =	vld [tilespmem:s0+$0x40];
	_ =	sdelay $0x4  }
0x12f: {  	v63 =	vshll.u32 v3, $0x3  }
0x130: {  	v3 =	vand.u32 $0x7, v3;
	v4 =	vand.u32 $0xFFFFFFC0, v63  }
0x131: {  	v3 =	vor.u32 v3, v4  }
0x132: {  	v4 =	vperm.xlane v3, v0;
	_ =	sdelay $0x1  }
0x133: {  	v4 =	vadd.s32 v1, v4;
	_ =	sdelay $0x3  }
0x134: {  	s18 =	simm.s32 $0x12480  }
0x135: {  	[tilespmem:s18], [sflag:$0x4] =	stream.indirect_vreg.gather [hbm4b:s2+s3], $0x80, v4, vm0, $0xb8;
	[tilespmem:$0x1E480] =	vst v63  }
0x136: {  	v3 =	vperm.xlane v3, v2;
	s18 =	simm.s32 $0x12C80  }
0x137: {  	[tilespmem:s18], [sflag:$0x4] =	stream.indirect_vreg.gather [hbm4b:s8+s3], $0x80, v4, vm0, $0xb8;
	[tilespmem:$0x1E480] =	vst v63  }
0x138: {  	v3 =	vadd.s32 v1, v3;
	s18 =	simm.s32 $0x13480  }
0x139: {  	[tilespmem:s18], [sflag:$0x4] =	stream.indirect_vreg.gather [hbm4b:s9+s3], $0x80, v4, vm0, $0xb8;
	[tilespmem:$0x1E480] =	vst v63  }
0x13a: {  	s18 =	simm.s32 $0x13C80  }
0x13b: {  	[tilespmem:s18], [sflag:$0x4] =	stream.indirect_vreg.gather [hbm4b:s10+s3], $0x80, v4, vm0, $0xb8;
	[tilespmem:$0x1E480] =	vst v63  }
0x13c: {  	s1 =	sadd.s32 $0x3000, s1;
	s18 =	simm.s32 $0x14480  }
0x13d: {  	[tilespmem:s18], [sflag:$0x4] =	stream.indirect_vreg.gather [hbm4b:s2+s3], $0x80, v3, vm0, $0xb8;
	[tilespmem:$0x1E480] =	vst v63  }
0x13e: {  	p0 =	sne.s32 s1, $0xC6000;
	s18 =	simm.s32 $0x14C80  }
0x13f: {  	[tilespmem:s18], [sflag:$0x4] =	stream.indirect_vreg.gather [hbm4b:s8+s3], $0x80, v3, vm0, $0xb8;
	[tilespmem:$0x1E480] =	vst v63  }
.Ltmp1:
0x140: {  	_ = 	snop;
	(pc) =	sbr.rel @p0 .LBB2_4-.Ltmp1, $4  }
0x141: {  	s18 =	simm.s32 $0x15480  }
0x142: {  	[tilespmem:s18], [sflag:$0x4] =	stream.indirect_vreg.gather [hbm4b:s9+s3], $0x80, v3, vm0, $0xb8;
	[tilespmem:$0x1E480] =	vst v63  }
0x143: {  	s0 =	sadd.s32 $0x60, s0;
	s18 =	simm.s32 $0x15C80  }
0x144: {  	[tilespmem:s18], [sflag:$0x4] =	stream.indirect_vreg.gather [hbm4b:s10+s3], $0x80, v3, vm0, $0xb8;
	[tilespmem:$0x1E480] =	vst v63  }
0x145: {  	_ =	swait.ge [sflag:s26], $0x8000  }
0x146: {  	[sflag:s26] =	ssyncset.done $0x0  }
0x147: {  	s0 =	simm.s32 $0x0;
	s1 =	rddreg [dreg:$0x13];
	[sflag:s26] =	ssyncadd.s32 $0xFFFF8000  }
0x148: {  	[hbm4b:s1+s0] =	stream.linear.scatter [tilespmem:s19], [sflag:$0x6], $0x8000, $0x38;
	[tilespmem:$0x1E480] =	vst v63  }
0x149: {  	_ =	swait.ge [sflag:s28], $0x8000  }
0x14a: {  	[sflag:s28] =	ssyncset.done $0x0  }
0x14b: {  	s18 =	rddreg [dreg:$0x14];
	[sflag:s28] =	ssyncadd.s32 $0xFFFF8000  }
0x14c: {  	[hbm4b:s18+s0] =	stream.linear.scatter [tilespmem:s4], [sflag:$0x7], $0x8000, $0x38;
	[tilespmem:$0x1E480] =	vst v63  }
0x14d: {  	_ =	swait.ge [sflag:s29], $0x8000  }
0x14e: {  	[sflag:s29] =	ssyncset.done $0x0  }
0x14f: {  	[sflag:s29] =	ssyncadd.s32 $0xFFFF8000  }
0x150: {  	_ =	swait.ge [sflag:s31], $0x8000  }
0x151: {  	[sflag:s31] =	ssyncset.done $0x0  }
0x152: {  	s1 =	simm.s32 $0x8;
	[sflag:s31] =	ssyncadd.s32 $0xFFFF8000  }
0x153: {  	_ =	swait.ge [sflag:s1], $0x8000  }
0x154: {  	[sflag:s1] =	ssyncset.done $0x0  }
0x155: {  	s5 =	simm.s32 $0x1;
	[sflag:s1] =	ssyncadd.s32 $0xFFFF8000  }
0x156: {  	_ =	swait.ge [sflag:s5], $0x1900  }
0x157: {  	[sflag:s5] =	ssyncset.done $0x0  }
0x158: {  	s17 =	simm.s32 $0x2;
	[sflag:s5] =	ssyncadd.s32 $0xFFFFE700  }
0x159: {  	_ =	swait.ge [sflag:s17], $0x1900  }
0x15a: {  	[sflag:s17] =	ssyncset.done $0x0  }
0x15b: {  	s18 =	simm.s32 $0x0;
	[sflag:s17] =	ssyncadd.s32 $0xFFFFE700  }
0x15c: {  	v4 =	vld [tilespmem:s18+$0x3200]  }
0x15d: {  	v3 =	vimm.f32 $0.0e+00;
	s0 =	simm.s32 $0x40;
	v5 =	vld [tilespmem:s18+$0x4B00]  }
.LBB2_6:
0x15e: {  	_ = 	snop  }
0x15f: {  	p0 =	sne.s32 s0, $0x63C0  }
.Ltmp2:
0x160: {  	_ = 	snop;
	(pc) =	sbr.rel @p0 .LBB2_6-.Ltmp2, $4  }
0x161: {  	_ = 	snop  }
0x162: {  	s1 =	sshra.s32 s0, $0x2;
	v6 =	vsub.f32 v4, v5  }
0x163: {  	v4 =	vld [tilespmem:s1+$0x3200]  }
0x164: {  	s0 =	sadd.s32 $0x40, s0;
	v5 =	vld [tilespmem:s1+$0x4B00];
	v3 =	vadd.f32 v6, v3  }
0x165: {  	_ =	sdelay $0x3  }
0x166: {  	v4 =	vsub.f32 v4, v5;
	_ =	sdelay $0x1  }
0x167: {  	v3 =	vadd.f32 v4, v3;
	_ =	sdelay $0x1  }
0x168: {  	s0 =	rddreg [dreg:$0x15];
	s1 =	simm.s32 $0x6400;
	[tilespmem:$0x6400] =	vst v3  }
0x169: {  	[hbm4b:s0+s3] =	stream.linear.scatter [tilespmem:s1], [sflag:$0x9], $0x10, $0x38;
	[tilespmem:$0x1E480] =	vst v63  }
0x16a: {  	s1 =	simm.s32 $0x9  }
0x16b: {  	_ =	swait.ge [sflag:s1], $0x10  }
0x16c: {  	s5 =	rddreg [dreg:$0x17]  }
0x16d: {  	s18 =	rddreg [dreg:$0x16];
	s5 =	sadd.s32 $0x1, s5  }
0x16e: {  	p0 =	sne.s32 s5, s18  }
.Ltmp3:
0x16f: {  	_ = 	snop;
	(pc) =	sbr.rel @p0 .LBB2_1-.Ltmp3, $3  }
0x170: {  	_ =	sdelay $0x1  }
0x171: {  	[sflag:s1] =	ssyncset.done $0x0  }
0x172: {  	[sflag:s1] =	ssyncadd.s32 $0xFFFFFFF0;
	s18 =	simm.s32 $0x1900  }
0x173: {  	_ =	sfence.sel $0x180000  }
0x174: {  	[bflag:$0x0] =	sbarrier.arrive $0xFFFF  }
0x175: {  	_ =	strace $0x90000047  }
0x176: {  	s0 =	stileid.u32;
	[bflag:$0x2] =	sbarrier.arrive $0xFFFF  }
0x177: {  	p0 =	sne.s32 s0, $0x0;
	s0 =	rddreg [dreg:$0x2]  }
0x178: {  	s0 =	sadd.s32 @!p0 $0x100000, s0  }
0x179: {  	[sflag:s0] =	ssyncadd.tile.s32 @!p0 $0x1;
	_ =	shalt  }
.Lfunc_end2:
_tile_overlayer_lowered:
.L_overlay_start_2:
0x17a: {  	(tag) =	ssettag $0x2  }
0x17b: {  	s0 =	rddreg [dreg:$0x0];
	s2 =	stileid.u32  }
0x17c: {  	s1 =	rddreg [dreg:$0x1];
	p0 =	sne.s32 s2, $0x0  }
0x17d: {  	s3 =	rddreg [dreg:$0x2];
	[bflag:$0x3] =	sbarrier.arrive $0xFFFF;
	s2 =	simm.s32 @!p0 $0x1C09  }
0x17e: {  	[timem:s3], [sflag:s2] =	dma.local @!p0 [hbm:s0], s1  }
0x17f: {  	s0 =	simm.s32 @!p0 $0x9  }
0x180: {  	_ =	swait.ge @!p0 [sflag:s0], s1  }
0x181: {  	s1 =	ssub.s32 @!p0 $0x0, s1;
	[sflag:s0] =	ssyncset.done @!p0 $0x0  }
0x182: {  	[sflag:s0] =	ssyncadd.s32 @!p0 s1  }
0x183: {  	[bflag:$0x3] =	sbarrier.arrive $0xFFFF  }
0x184: {  	_ =	shalt  }

// kernel: sparse-core-data-format-call.cloned.1.call-start
scs
called_computation_lowered:
.L_overlay_start_0:
0x0: {  	s2 =	sld [smem:$0x3FD9]  }
0x1: {  	s3 =	sld [smem:$0x3FFE];
	_ =	sdelay $0x1  }
0x2: {  	s1 =	srdreg.scid  }
0x3: {  	s0 =	sand.u32 $0x1, s1  }
0x4: {  	s15 =	sshll.u32 s0, $0xA;
	s2 =	sadd.s32 s3, s2  }
0x5: {  	s2 =	sadd.s32 s2, s15  }
0x6: {  	[smem:$0x3FC5] =	sst s2  }
0x7: {  	_ = 	snop  }
0x8: {  	s2 =	sld [smem:$0x3FD0];
	_ =	sdelay $0x2  }
0x9: {  	s16 =	simm.s32 $0xA;
	s4 =	simm.s32 $0x10  }
0xa: {  	[smem:s4], [sflag:s16] =	dma.local [hbm:s2], $0x1  }
0xb: {  	_ =	swait.eq [sflag:s16], $0x1  }
0xc: {  	[sflag:s16] =	ssyncset.done $0x0  }
0xd: {  	[sflag:s16] =	ssyncadd.s32 $0xFFFFFFFF  }
0xe: {  	s17 =	sld [smem:$0x10];
	(tm) =	ssettm $0x1  }
0xf: {  	s18 =	sld [smem:$0x3FFB];
	_ =	sdelay $0x3  }
0x10: {  	_ =	strace s18  }
0x11: {  	s3 =	sld [smem:$0x3FFC];
	_ =	sdelay $0x3  }
0x12: {  	_ =	strace s3  }
0x13: {  	s3 =	sld [smem:$0x3FFD];
	_ =	sdelay $0x3  }
0x14: {  	_ =	strace s3  }
0x15: {  	_ =	strace $0x8FFFFFFF  }
0x16: {  	s19 =	sld [smem:$0x3FDB];
	_ =	sdelay $0x1  }
0x17: {  	s20 =	simm.s32 $_scs_section_size  }
0x18: {  	s5 =	simm.s32 $_size__tile_overlayer_lowered;
	s6 =	simm.s32 $_tile_overlayer_lowered  }
0x19: {  	s23 =	simm.s32 $0x1BFF;
	s22 =	sshll.u32 s6, $0x1;
	s3 =	sadd.s32 s20, s19  }
0x1a: {  	s7 =	simm.s32 $0x0;
	s21 =	sshll.u32 s5, $0x1;
	s5 =	sadd.s32 s22, s3  }
0x1b: {  	[timem:s7], [sflag:s23] =	dma.local [hbm:s5], s21  }
0x1c: {  	_ =	swait.ge [sflag:s23], s21  }
0x1d: {  	s4 =	ssub.s32 $0x0, s21;
	[sflag:s23] =	ssyncset.done $0x0  }
0x1e: {  	[sflag:s23] =	ssyncadd.s32 s4;
	_ =	sdelay $0x1  }
0x1f: {  	s24 =	simm.s32 $0x1B8B  }
0x20: {  	_ =	swait.ge [sflag:s24], $0x1  }
0x21: {  	[sflag:s24] =	ssyncset.done $0x0  }
0x22: {  	s26 =	simm.s32 $0x1B8E;
	s25 =	sld [smem:$0x3FFE];
	[sflag:s24] =	ssyncadd.s32 $0xFFFFFFFF  }
0x23: {  	s27 =	simm.s32 $execute0_lowered;
	[smem:$0x3FD2] =	sst s26  }
0x24: {  	s5 =	sshll.u32 s27, $0x1;
	_ =	strace $0x80000049;
	[dreg:$0x1] =	wrdreg $0xFFFFFFFF  }
0x25: {  	s28 =	simm.s32 $_size_execute0_lowered;
	s3 =	sadd.s32 s3, s5;
	[dreg:$0x0] =	wrdreg $0x0  }
0x26: {  	s5 =	sshll.u32 s28, $0x1;
	[dreg:$0x2] =	wrdreg s3  }
0x27: {  	[dreg:$0x3] =	wrdreg s5  }
0x28: {  	[dreg:$0x4] =	wrdreg $0xC0  }
0x29: {  	_ =	task [dreg:s7], $0x5FFFF  }
0x2a: {  	[dreg:$0x1] =	wrdreg $0xFFFFFFFF  }
0x2b: {  	[dreg:$0x0] =	wrdreg $0x60  }
0x2c: {  	[dreg:$0x2] =	wrdreg s25  }
0x2d: {  	[dreg:$0x3] =	wrdreg s17  }
0x2e: {  	[dreg:$0x4] =	wrdreg $0x9  }
0x2f: {  	_ =	task.clear_ibuf [dreg:s7], $0x5FFFF;
	_ =	strace $0x90000049  }
0x30: {  	s29 =	simm.s32 $0x9;
	_ =	strace $0x8000004B  }
0x31: {  	_ =	swait.ge [sflag:s29], $0x1  }
0x32: {  	[sflag:s29] =	ssyncadd.s32 $0xFFFFFFFF  }
0x33: {  	_ =	strace $0x9000004B  }
0x34: {  	_ =	sfence  }
0x35: {  	s30 =	sld [smem:$0x0];
	_ =	sdelay $0x2  }
0x36: {  	s31 =	sshll.u32 s1, $0xD;
	s1 =	sshrl.u32 s1, $0x2  }
0x37: {  	s3 =	sand.u32 $0x4000, s31;
	s1 =	sadd.s32 s1, s30  }
0x38: {  	s0 =	sor.u32 s3, s0;
	s1 =	sshll.u32 s1, $0x11  }
0x39: {  	s0 =	sor.u32 s1, s0  }
0x3a: {  	s0 =	sadd.s32 $0x8F2B, s0  }
0x3b: {  	[sflag:s0] =	ssyncadd.remote.s32 $0x1  }
0x3c: {  	_ =	sfence.sel $0xFFFF  }
0x3d: {  	[dreg:$0x0] =	wrdreg $0xFFFFFFFF;
	(pc) =	sbr.abs _section_cstart, $3  }
0x3e: {  	[dreg:$0x1] =	wrdreg $0xFFFFFFFF  }
0x3f: {  	_ =	task.clear_ibuf [dreg:s7], $0x2FFFF;
	_ =	strace $0x9FFFFFFF  }
0x40: {  	(tm) =	ssettm $0x7FFFFFFF  }
0x41: {  	_ =	shalt  }
tec
execute0_lowered:
.L_overlay_start_1:
0x0: {  	(tag) =	ssettag $0x1  }
0x1: {  	s0 =	srdreg.scid;
	s5 =	rddreg [dreg:$0x0]  }
0x2: {  	s3 =	rddreg [dreg:$0x1];
	s1 =	sshll.u32 s0, $0x4  }
0x3: {  	s7 =	simm.s32 $0x1;
	s0 =	stileid.u32;
	s1 =	sand.u32 $0x10, s1  }
0x4: {  	s8 =	simm.s32 $0x2;
	s15 =	simm.s32 $0x0;
	s1 =	sor.u32 s0, s1  }
0x5: {  	s14 =	simm.s32 $0x0;
	s9 =	simm.s32 $0x0;
	s2 =	sshll.u32 s1, $0x7  }
0x6: {  	s10 =	simm.s32 $0x0;
	s11 =	simm.s32 $0x0;
	s6 =	ssub.s32 $0x32000, s2  }
0x7: {  	s13 =	simm.s32 $0x0;
	s5 =	sadd.s32 $0x2CC00, s5;
	s4 =	sand.u32 $0xF80, s6  }
.Ltmp0:
0x8: {  	s1 =	rddreg [dreg:$0x2];
	p0 =	sne.s32 s4, $0x0;
	(pc) =	sbr.rel .LBB1_1-.Ltmp0, $4  }
0x9: {  	_ =	strace $0x8000004A;
	s6 =	sshrl.u32 s6, $0xC;
	s7 =	simm.s32 @!p0 $0x0  }
0xa: {  	s12 =	smov.u32 s2;
	s4 =	simm.s32 $0x1;
	s6 =	sadd.s32 s7, s6  }
0xb: {  	[sflag:s4] =	ssyncpa.u1 $0x0;
	p0 =	por $0x0, $0x0;
	s6 =	sshll.u32 s6, $0x3  }
0xc: {  	[sflag:s8] =	ssyncpa.u1 $0x0;
	s8 =	simm.s32 $0x190000;
	s7 =	sor.u32 $0x1, s6  }
.LBB1_4:
0xd: {  	s21 =	sshrl.u32 s9, $0x3;
	s22 =	sshll.u32 s10, $0x3  }
0xe: {  	s20 =	sshra.s32 s20, $0x2;
	s23 =	sshll.u32 s9, $0x7;
	s24 =	sand.u32 $0x7F, s10  }
0xf: {  	p1 =	sgt.s32 s9, $0x368;
	s28 =	sshra.s32 s9, $0x1F;
	s21 =	smul.u32 $0x190000, s21  }
0x10: {  	s29 =	sshra.s32 s10, $0x1F;
	s22 =	sand.u32 $0xFFFFFC00, s22;
	s25 =	sand.u32 $0x380, s23  }
0x11: {  	s19 =	sadd.s32 s20, s19;
	s26 =	sor.u32 s24, s25;
	s21 =	sadd.s32 s22, s21  }
0x12: {  	s27 =	smulhi.u32 $0x51EB851F, s21;
	s20 =	sor.u32 s21, s26;
	s21 =	smov.u32 s9  }
0x13: {  	v5 =	vld [tilespmem:s17+$0xFFFFFFD0];
	[tilespmem:s18+$0x2040 ss:$0x81] =	vst.msk $0xffff, v4;
	s23 =	sand.u32 s28, s9;
	s24 =	sand.u32 s29, s10;
	s21 =	simm.s32 @!p1 $0x368  }
0x14: {  	v58 =	vld [tilespmem:s17+$0xFFFFFFE0];
	[tilespmem:s18+$0x2850 ss:$0x81] =	vst.msk $0xffff, v3;
	p1 =	sgt.s32 s10, $0x31F80;
	s30 =	smulhi.u32 $0x51EB851F, s20;
	s22 =	sshrl.u32 s27, $0x10  }
0x15: {  	v59 =	vld [tilespmem:s17+$0xFFFFFFF0];
	[tilespmem:s18+$0x3060 ss:$0x81] =	vst.msk $0xffff, v2;
	s21 =	ssub.s32 s21, s23;
	s23 =	smov.u32 s10;
	s25 =	smul.u32 $0x8313, s22  }
0x16: {  	v60 =	vld [tilespmem:s17+$0x0];
	[tilespmem:s18+$0x0 ss:$0x81] =	vst.msk $0xffff, v0;
	s23 =	simm.s32 @!p1 $0x31F80;
	s31 =	sadd.s32 $0xFFFFFC98, s21;
	s18 =	sshrl.u32 s30, $0x10  }
0x17: {  	v61 =	vld [tilespmem:s17+$0x10];
	[tilespmem:s19+$0x3870 ss:$0x81] =	vst.msk $0xffff, v1;
	s23 =	ssub.s32 s23, s24;
	s28 =	smul.u32 $0x32000, s18;
	s25 =	sshrl.u32 s25, $0x19  }
0x18: {  	v62 =	vld [tilespmem:s17+$0x20];
	[tilespmem:s19+$0x810 ss:$0x81] =	vst.msk $0xffff, v5;
	p1 =	sgt.s32 s31, $0x7F;
	s26 =	sadd.s32 $0xFFFCE080, s23;
	s27 =	smul.u32 $0x3E8, s25  }
0x19: {  	v63 =	vld [tilespmem:s17+$0xFFFFFFC0];
	[tilespmem:s19+$0x1020 ss:$0x81] =	vst.msk $0xffff, v58;
	s18 =	ssub.s32 $0x3E8, s21;
	s21 =	ssub.s32 $0x32000, s23;
	p2 =	sgt.s32 s26, $0x7F  }
0x1a: {  	[tilespmem:s19+$0x1830 ss:$0x81] =	vst.msk $0xffff, v59;
	s18 =	simm.s32 @p1 $0x0;
	s21 =	simm.s32 @p2 $0x0;
	s22 =	ssub.s32 s22, s27  }
0x1b: {  	[tilespmem:s19+$0x2040 ss:$0x81] =	vst.msk $0xffff, v60;
	s17 =	ssub.s32 s20, s28;
	s18 =	smul.u32 s21, s18;
	s29 =	sand.u32 $0xFFFF, s22  }
0x1c: {  	[tilespmem:s19+$0x2850 ss:$0x81] =	vst.msk $0xffff, v61;
	s30 =	sshrl.u32 s17, $0x3;
	s17 =	sand.u32 $0x7, s17;
	s20 =	smul.u32 $0x6400, s29  }
0x1d: {  	[tilespmem:s19+$0x3060 ss:$0x81] =	vst.msk $0xffff, v62;
	s21 =	sadd.s32 s3, s30;
	s17 =	sshll.u32 s17, $0x12  }
0x1e: {  	[tilespmem:s19+$0x0 ss:$0x81] =	vst.msk $0xffff, v63;
	s17 =	sor.u32 $0x400, s17;
	s18 =	sand.u32 $0x3FFFFFFF, s18;
	s31 =	sadd.s32 s20, s21  }
0x1f: {  	[hbm4b:s31+s17] =	stream.strided.scatter [tilespmem:s16], [sflag:$0x2], s18, s8, s17, $0x20;
	[tilespmem:$0x10100] =	vst v63  }
.LBB1_5:
0x20: {  	p1 =	slt.u32 s13, $0x2  }
0x21: {  	s17 =	smov.u32 s15;
	p2 =	sgt.s32 @!p1 s15, $0x368;
	s16 =	sshra.s32 @!p1 s15, $0x1F  }
0x22: {  	p3 =	sgt.s32 @!p1 s14, $0x31F80;
	s18 =	sshra.s32 @!p1 s14, $0x1F;
	p2 =	por !p2, p1  }
0x23: {  	s15 =	sand.u32 @!p1 s16, s15;
	p3 =	por !p3, p1;
	s16 =	smov.u32 s14  }
0x24: {  	s14 =	sand.u32 @!p1 s18, s14;
	s17 =	simm.s32 @p2 $0x368;
	s16 =	simm.s32 @p3 $0x31F80  }
0x25: {  	s15 =	ssub.s32 @!p1 s17, s15;
	s14 =	ssub.s32 @!p1 s16, s14  }
0x26: {  	s18 =	smov.u32 s12;
	s16 =	sadd.s32 @!p1 $0xFFFFFC98, s15;
	s17 =	sadd.s32 @!p1 $0xFFFCE080, s14  }
0x27: {  	s15 =	ssub.s32 @!p1 $0x3E8, s15;
	p2 =	sgt.s32 @!p1 s16, $0x7F;
	p3 =	sgt.s32 @!p1 s17, $0x7F  }
0x28: {  	s14 =	ssub.s32 @!p1 $0x32000, s14;
	p2 =	por !p2, p1;
	p3 =	por !p3, p1  }
0x29: {  	s16 =	sadd.s32 $0x80, s11;
	s15 =	simm.s32 @!p2 $0x0;
	s14 =	simm.s32 @!p3 $0x0  }
0x2a: {  	p2 =	sgt.s32 s16, $0x3E7;
	s14 =	smul.u32 @!p1 s14, s15;
	s15 =	sadd.s32 $0x1000, s12  }
0x2b: {  	s18 =	smov.u32 @p2 s15  }
0x2c: {  	s16 =	simm.s32 @p2 $0x0;
	p2 =	sgt.s32 s18, $0x31FFF  }
0x2d: {  	s18 =	smov.u32 @p2 s2;
	p2 =	sne.s32 s13, s7  }
.Ltmp1:
0x2e: {  	p0 =	por !p0, !p0;
	s17 =	simm.s32 @!p1 $0x2;
	(pc) =	sbr.rel @!p2 .LBB1_6-.Ltmp1, $4  }
0x2f: {  	s15 =	smov.u32 s9;
	s9 =	smov.u32 s11;
	s14 =	sand.u32 @!p1 $0x3FFFFFFF, s14  }
0x30: {  	s11 =	smov.u32 s16;
	_ =	swait.ge @!p1 [sflag:s17], s14;
	s19 =	ssub.s32 @!p1 $0x0, s14  }
0x31: {  	s14 =	smov.u32 s10;
	s13 =	sadd.s32 $0x1, s13;
	[sflag:s17] =	ssyncset.done @!p1 $0x0  }
0x32: {  	s10 =	smov.u32 s12;
	s12 =	smov.u32 s18;
	[sflag:s17] =	ssyncadd.s32 @!p1 s19  }
.LBB1_1:
0x33: {  	p1 =	sge.u32 s13, s6  }
0x34: {  	s16 =	sshll.u32 @!p1 s12, $0xA  }
0x35: {  	s17 =	sshll.u32 @!p1 s11, $0x3;
	s16 =	sand.u32 @!p1 $0xFFFFE000, s16  }
0x36: {  	s16 =	sadd.s32 @!p1 s16, s17  }
0x37: {  	s16 =	sshrl.u32 @!p1 s16, $0xA  }
0x38: {  	s17 =	smulhi.u32 @!p1 $0x28F5C3, s16  }
0x39: {  	s18 =	sxor.u32 @!p1 $0xFFFFFFFF, s13  }
0x3a: {  	s19 =	sshll.u32 @!p1 s12, $0x7;
	s20 =	sand.u32 @!p1 $0x78, s11;
	s17 =	sshrl.u32 @!p1 s17, $0x7  }
0x3b: {  	s18 =	sshll.u32 @!p1 s18, $0xE;
	s19 =	sand.u32 @!p1 $0x380, s19;
	s17 =	smul.u32 @!p1 $0x32000, s17  }
0x3c: {  	s31 =	sadd.s32 $0xFFFFFFFF, s13;
	s19 =	sor.u32 @!p1 s20, s19;
	s18 =	sand.u32 @!p1 $0x4000, s18  }
0x3d: {  	s16 =	ssub.s32 @!p1 s16, s17;
	s17 =	sshrl.u32 @!p1 s19, $0x3;
	s19 =	sand.u32 @!p1 $0x7, s11  }
0x3e: {  	s16 =	sshll.u32 @!p1 s16, $0x7;
	s17 =	sadd.s32 @!p1 s5, s17;
	s19 =	sshll.u32 @!p1 s19, $0x12  }
0x3f: {  	s16 =	sadd.s32 @!p1 s16, s17;
	s17 =	sor.u32 @!p1 $0x400, s19;
	s19 =	simm.s32 @!p1 $0x2000  }
0x40: {  	[tilespmem:s18], [sflag:$0x1] =	stream.strided.gather @!p1 [hbm4b:s16+s17], $0x4000, s19, s17, $0x38;
	[tilespmem:$0x10100] =	vst v63  }
0x41: {  	p1 =	sge.u32 s31, s6  }
.Ltmp2:
0x42: {  	_ = 	snop;
	(pc) =	sbr.rel @p1 .LBB1_5-.Ltmp2, $1  }
0x43: {  	_ =	sdelay $0x3  }
0x44: {  	s16 =	simm.s32 $0x1  }
0x45: {  	_ =	swait.ge [sflag:s4], $0x4000;
	s16 =	simm.s32 @!p0 $0x0  }
0x46: {  	[sflag:s4] =	ssyncset.done $0x0;
	s17 =	sshll.u32 s16, $0xE  }
0x47: {  	[sflag:s4] =	ssyncadd.s32 $0xFFFFC000;
	s17 =	sor.u32 $0x40, s17  }
0x48: {  	s16 =	smul.u32 $0x10200, s16;
	v0 =	vld [tilespmem:s17+$0x30]  }
0x49: {  	v1 =	vld [tilespmem:s17+$0xFFFFFFD0]  }
0x4a: {  	s16 =	sshrl.u32 s16, $0x2;
	v5 =	vld [tilespmem:s17+$0xFFFFFFE0]  }
0x4b: {  	v6 =	vld [tilespmem:s17+$0xFFFFFFF0];
	s19 =	sor.u32 $0x8000, s16  }
0x4c: {  	s31 =	sand.u32 $0x1, s13;
	v4 =	vld [tilespmem:s17+$0x0];
	s18 =	sadd.s32 $0x0, s19  }
0x4d: {  	v3 =	vld [tilespmem:s17+$0x10];
	s16 =	smul.u32 $0x10200, s31;
	[tilespmem:s18+$0x3870 ss:$0x81] =	vst.msk $0xffff, v0  }
0x4e: {  	v2 =	vld [tilespmem:s17+$0x20];
	[tilespmem:s18+$0x810 ss:$0x81] =	vst.msk $0xffff, v1  }
0x4f: {  	s16 =	sshrl.u32 s16, $0x2;
	v0 =	vld [tilespmem:s17+$0xFFFFFFC0];
	[tilespmem:s18+$0x1020 ss:$0x81] =	vst.msk $0xffff, v5;
	s17 =	sadd.s32 $0x80, s17  }
0x50: {  	s20 =	simm.s32 $0x4;
	s21 =	simm.s32 $0x8;
	s16 =	sor.u32 $0x8000, s16;
	[tilespmem:s18+$0x1830 ss:$0x81] =	vst.msk $0xffff, v6;
	v1 =	vld [tilespmem:s17+$0x30]  }
.LBB1_3:
0x51: {  	p1 =	sne.s32 s21, $0x1FC;
	v5 =	vld [tilespmem:s17+$0xFFFFFFD0];
	[tilespmem:s18+$0x2040 ss:$0x81] =	vst.msk $0xffff, v4  }
0x52: {  	v6 =	vld [tilespmem:s17+$0xFFFFFFE0];
	[tilespmem:s18+$0x2850 ss:$0x81] =	vst.msk $0xffff, v3  }
0x53: {  	s22 =	sshra.s32 s20, $0x2;
	s20 =	smov.u32 s21;
	v7 =	vld [tilespmem:s17+$0xFFFFFFF0];
	[tilespmem:s18+$0x3060 ss:$0x81] =	vst.msk $0xffff, v2  }
.Ltmp3:
0x54: {  	v4 =	vld [tilespmem:s17+$0x0];
	[tilespmem:s18+$0x0 ss:$0x81] =	vst.msk $0xffff, v0;
	s18 =	sadd.s32 s22, s19;
	(pc) =	sbr.rel @p1 .LBB1_3-.Ltmp3, $4  }
0x55: {  	v3 =	vld [tilespmem:s17+$0x10];
	[tilespmem:s18+$0x3870 ss:$0x81] =	vst.msk $0xffff, v1  }
0x56: {  	[tilespmem:s18+$0x810 ss:$0x81] =	vst.msk $0xffff, v5;
	v2 =	vld [tilespmem:s17+$0x20]  }
0x57: {  	v0 =	vld [tilespmem:s17+$0xFFFFFFC0];
	[tilespmem:s18+$0x1020 ss:$0x81] =	vst.msk $0xffff, v6;
	s17 =	sadd.s32 $0x80, s17  }
0x58: {  	s21 =	sadd.s32 $0x4, s21;
	v1 =	vld [tilespmem:s17+$0x30];
	[tilespmem:s18+$0x1830 ss:$0x81] =	vst.msk $0xffff, v7  }
.Ltmp4:
0x59: {  	_ = 	snop;
	(pc) =	sbr.rel .LBB1_4-.Ltmp4, $1  }
0x5a: {  	_ =	sdelay $0x3  }
.LBB1_6:
0x5b: {  	_ =	sfence.sel $0x180000  }
0x5c: {  	s2 =	simm.s32 $0x1;
	[bflag:$0x0] =	sbarrier.arrive $0xFFFF  }
0x5d: {  	s31 =	simm.s32 $0x2;
	[sflag:s2] =	ssyncpa.u1 $0x1  }
0x5e: {  	[sflag:s31] =	ssyncpa.u1 $0x1  }
0x5f: {  	p0 =	sne.s32 s0, $0x0;
	_ =	strace $0x9000004A  }
0x60: {  	s0 =	sadd.s32 @!p0 $0x100000, s1;
	[bflag:$0x2] =	sbarrier.arrive $0xFFFF  }
0x61: {  	[sflag:s0] =	ssyncadd.tile.s32 @!p0 $0x1;
	_ =	shalt  }
.Lfunc_end1:
_tile_overlayer_lowered:
.L_overlay_start_2:
0x62: {  	(tag) =	ssettag $0x2  }
0x63: {  	s0 =	rddreg [dreg:$0x0];
	s2 =	stileid.u32  }
0x64: {  	s1 =	rddreg [dreg:$0x1];
	p0 =	sne.s32 s2, $0x0  }
0x65: {  	s3 =	rddreg [dreg:$0x2];
	[bflag:$0x3] =	sbarrier.arrive $0xFFFF;
	s2 =	simm.s32 @!p0 $0x1C01  }
0x66: {  	[timem:s3], [sflag:s2] =	dma.local @!p0 [hbm:s0], s1  }
0x67: {  	s0 =	simm.s32 @!p0 $0x1  }
0x68: {  	_ =	swait.ge @!p0 [sflag:s0], s1  }
0x69: {  	s1 =	ssub.s32 @!p0 $0x0, s1;
	[sflag:s0] =	ssyncset.done @!p0 $0x0  }
0x6a: {  	[sflag:s0] =	ssyncadd.s32 @!p0 s1  }
0x6b: {  	[bflag:$0x3] =	sbarrier.arrive $0xFFFF  }
0x6c: {  	_ =	shalt  }

</sc_bundles>
